<compile_context>
chip_gen: v7x
topology: tpu7x:2x2x1
jax: 0.10.2.dev20260603
libtpu: 0.0.44.dev20260713+nightly
codegen_flags: <defaults>
</compile_context>

<pallas_src>
import functools

import jax
import jax.numpy as jnp
from jax import lax
from jax.experimental import pallas as pl
from jax.experimental.pallas import tpu as pltpu
from jax.experimental.pallas import tpu_sc as plsc

_NC = 2
_NS = 16
_NW = _NC * _NS
_L = 16


def _sc_energy(n_pairs, n_atoms, chunk):
    n_per_w = n_pairs // _NW
    n_chunks = n_per_w // chunk
    n_steps = chunk // _L
    c2 = 2 * chunk

    mesh = plsc.VectorSubcoreMesh(core_axis_name="c", subcore_axis_name="s")

    @functools.partial(
        pl.kernel,
        mesh=mesh,
        compiler_params=pltpu.CompilerParams(
            needs_layout_passes=False, use_tc_tiling_on_sc=False),
        out_type=jax.ShapeDtypeStruct((_NW, _L), jnp.float32),
        scratch_types=[
            pltpu.VMEM((1024,), jnp.float32),
            pltpu.VMEM((1024,), jnp.float32),
            pltpu.VMEM((112,), jnp.float32),
            pltpu.VMEM((chunk,), jnp.int32),
            pltpu.VMEM((chunk,), jnp.int32),
            pltpu.VMEM((chunk,), jnp.int32),
            pltpu.VMEM((chunk,), jnp.int32),
            pltpu.VMEM((chunk, 8), jnp.float32),
            pltpu.VMEM((chunk, 8), jnp.float32),
            pltpu.VMEM((chunk, 8), jnp.float32),
            pltpu.VMEM((chunk, 8), jnp.float32),
            pltpu.VMEM((_L,), jnp.float32),
            pltpu.SemaphoreType.DMA,
            pltpu.SemaphoreType.DMA,
        ],
    )
    def body(coords8, pi, pj, sig, eps, cst, out,
             sig_v, eps_v, cst_v,
             ibi_a, ibj_a, ibi_b, ibj_b, ri_a, rj_a, ri_b, rj_b, acc_v,
             sem_a, sem_b):
        wid = lax.axis_index("s") * _NC + lax.axis_index("c")
        base_w = wid * n_per_w

        pltpu.sync_copy(sig, sig_v)
        pltpu.sync_copy(eps, eps_v)
        pltpu.sync_copy(cst, cst_v)

        ibx = cst_v[pl.ds(0, _L)]
        iby = cst_v[pl.ds(16, _L)]
        ibz = cst_v[pl.ds(32, _L)]
        lxv = cst_v[pl.ds(48, _L)]
        lyv = cst_v[pl.ds(64, _L)]
        lzv = cst_v[pl.ds(80, _L)]
        cut2 = cst_v[pl.ds(96, _L)]
        lanes = lax.iota(jnp.int32, _L)
        lanes2 = lanes * 2

        def bf16r(x):
            u = plsc.bitcast(x, jnp.int32)
            u = u + 0x7FFF + ((u >> 16) & 1)
            u = u & jnp.int32(-65536)
            return plsc.bitcast(u, jnp.float32)

        def minimg(d, ib, lv):
            s = bf16r(d) * ib
            f = jnp.where(s > 0.5, 1.0, 0.0) + jnp.where(s < -0.5, -1.0, 0.0)
            return bf16r(s - f) * lv

        def fetch(g, ibi, ibj, ri, rj, sem):
            base = pl.multiple_of(base_w + g * chunk, 8)
            pltpu.sync_copy(pi.at[pl.ds(base, chunk)], ibi)
            pltpu.sync_copy(pj.at[pl.ds(base, chunk)], ibj)
            pltpu.async_copy(coords8.at[ibi], ri, sem)
            pltpu.async_copy(coords8.at[ibj], rj, sem)

        def drain(ibi, ibj, ri, rj, sem):
            pltpu.make_async_copy(coords8.at[ibi], ri, sem).wait()
            pltpu.make_async_copy(coords8.at[ibj], rj, sem).wait()

        def compute(ibi, ibj, ri, rj, acc):
            def step(i, acc):
                o = i * _L
                e = lanes + o
                c0 = lanes - lanes
                ti = plsc.load_gather(ri, [e, c0 + 3]).astype(jnp.int32)
                tj = plsc.load_gather(rj, [e, c0 + 3]).astype(jnp.int32)
                tp = ti * 32 + tj
                sg = plsc.load_gather(sig_v, [tp])
                ep = plsc.load_gather(eps_v, [tp])
                xi = plsc.load_gather(ri, [e, c0])
                yi = plsc.load_gather(ri, [e, c0 + 1])
                zi = plsc.load_gather(ri, [e, c0 + 2])
                xj = plsc.load_gather(rj, [e, c0])
                yj = plsc.load_gather(rj, [e, c0 + 1])
                zj = plsc.load_gather(rj, [e, c0 + 2])
                dx = minimg(xi - xj, ibx, lxv)
                dy = minimg(yi - yj, iby, lyv)
                dz = minimg(zi - zj, ibz, lzv)
                r2 = dx * dx + dy * dy + dz * dz
                r2 = jnp.maximum(r2, 1e-6)
                s2 = sg * sg / r2
                tmp = s2 * s2 * s2
                ene = 4.0 * ep * tmp * (tmp - 1.0)
                ene = jnp.where(r2 < cut2, ene, jnp.zeros_like(ene))
                return acc + ene

            return lax.fori_loop(0, n_steps, step, acc)

        fetch(0, ibi_a, ibj_a, ri_a, rj_a, sem_a)

        def chunk_pair(t, acc):
            fetch(2 * t + 1, ibi_b, ibj_b, ri_b, rj_b, sem_b)
            drain(ibi_a, ibj_a, ri_a, rj_a, sem_a)
            acc = compute(ibi_a, ibj_a, ri_a, rj_a, acc)

            @pl.when(t + 1 < n_chunks // 2)
            def _():
                fetch(2 * t + 2, ibi_a, ibj_a, ri_a, rj_a, sem_a)

            drain(ibi_b, ibj_b, ri_b, rj_b, sem_b)
            return compute(ibi_b, ibj_b, ri_b, rj_b, acc)

        acc = lax.fori_loop(0, n_chunks // 2, chunk_pair,
                            jnp.zeros((_L,), jnp.float32))
        acc_v[...] = acc
        pltpu.sync_copy(acc_v, out.at[wid])

    return body


def _tc_sum(x_ref, o_ref):
    o_ref[0, 0] = jnp.sum(x_ref[...])


def kernel(coords, pairs, box, sigma, epsilon, cutoff, atom_types):
    n_pairs = pairs.shape[0]
    n_atoms = coords.shape[0]
    chunk = 2000
    assert n_pairs % (_NW * chunk) == 0 and (n_pairs // (_NW * chunk)) % 2 == 0

    tv = atom_types.astype(jnp.float32)[:, None]
    coords8 = jnp.concatenate(
        [coords.astype(jnp.float32), tv,
         jnp.zeros((n_atoms, 4), jnp.float32)], axis=1)
    pi = pairs[:, 0].astype(jnp.int32)
    pj = pairs[:, 1].astype(jnp.int32)
    sig = sigma.astype(jnp.float32).reshape(-1)
    eps = epsilon.astype(jnp.float32).reshape(-1)
    box = box.astype(jnp.float32)
    bd = jnp.diagonal(box)
    ibd = jnp.diagonal(jnp.linalg.inv(box))
    cut = jnp.asarray(cutoff, jnp.float32)

    def bf(x):
        return x.astype(jnp.bfloat16).astype(jnp.float32)

    vals = jnp.concatenate([bf(ibd), bf(bd), (cut * cut)[None]])
    cst = jnp.repeat(vals, 16)

    parts = _sc_energy(n_pairs, n_atoms, chunk)(
        coords8, pi, pj, sig, eps, cst)

    total = pl.pallas_call(
        _tc_sum,
        out_shape=jax.ShapeDtypeStruct((1, 1), jnp.float32),
        out_specs=pl.BlockSpec(memory_space=pltpu.SMEM),
    )(parts)
    return total[0, 0]

# --- scband reference (transcript-rebuilt; emitter-appended) ---
"""Pipeline reference for scband-vdw-46969762349275 (READ-ONLY COPY).

The authoritative reference and input builder live on the scoring server;
editing this copy changes nothing except your own understanding.
"""

import jax, jax.numpy as jnp
import numpy as np

N_ATOMS = 50000
N_PAIRS = 3200000
N_TYPES = 32
BOX_L = 50.0


def setup_inputs(seed: int = 0) -> dict:
    key = jax.random.key(seed)
    k1, k2, k3, k4, k5 = jax.random.split(key, 5)
    # coords: rand fill scaled into an orthorhombic box of edge BOX_L
    coords = jax.random.uniform(k1, (N_ATOMS, 3), dtype=jnp.float32) * BOX_L
    # pairs: randint in [0, N_ATOMS)
    pairs = jax.random.randint(k2, (N_PAIRS, 2), 0, N_ATOMS, dtype=jnp.int32)
    # box: orthorhombic periodic box (must be invertible for minimum-image)
    box = jnp.diag(jnp.array([BOX_L, BOX_L, BOX_L], dtype=jnp.float32))
    # type-pair parameter tables (use_type_pairs=True): shape (n_types, n_types)
    sigma = jax.random.uniform(k3, (N_TYPES, N_TYPES), dtype=jnp.float32) * 0.5 + 3.0
    epsilon = jax.random.uniform(k4, (N_TYPES, N_TYPES), dtype=jnp.float32) * 0.2 + 0.05
    atom_types = jax.random.randint(k5, (N_ATOMS,), 0, N_TYPES, dtype=jnp.int32)
    return {
        "coords": coords,
        "pairs": pairs,
        "box": box,
        "sigma": sigma,
        "epsilon": epsilon,
        "cutoff": 10,
        "atom_types": atom_types,
    }


def reference(coords, pairs, box, sigma, epsilon, cutoff, atom_types):
    # Vdw.forward with function='LennardJones', use_customized_ops=False,
    # use_type_pairs=True, sum_output=True, cuda_graph_compat=True.
    # 1) gather pair endpoint coordinates (SparseCore gather)
    ri = jnp.take(coords, pairs[:, 0], axis=0)
    rj = jnp.take(coords, pairs[:, 1], axis=0)
    dr = ri - rj
    # 2) PBC minimum-image convention in fractional coordinates
    inv_box = jnp.linalg.inv(box)
    s = dr @ inv_box
    s = s - jnp.round(s)
    dr_min = s @ box
    r_ij = jnp.sqrt(jnp.sum(dr_min * dr_min, axis=-1))
    # numerical guard against coincident random pairs (r -> 0)
    r_ij = jnp.maximum(r_ij, 1e-3)
    # 3) expand_type_pairs: type-based parameter gathers
    ti = jnp.take(atom_types, pairs[:, 0], axis=0)
    tj = jnp.take(atom_types, pairs[:, 1], axis=0)
    sigma_ij = sigma[ti, tj]
    epsilon_ij = epsilon[ti, tj]
    # 4) LJ 12-6 reference energy, cutoff applied via where (cuda_graph_compat)
    tmp = (sigma_ij / r_ij) ** 6
    ene_ij = 4.0 * epsilon_ij * tmp * (tmp - 1.0)
    ene_ij = jnp.where(r_ij < jnp.asarray(cutoff, dtype=r_ij.dtype), ene_ij, jnp.zeros_like(ene_ij))
    # 5) sum_output=True -> scalar total energy
    return jnp.sum(ene_ij)

if __name__ == "__main__":
    import jax
    _d = setup_inputs()
    print(jax.jit(kernel)(*tuple(_d.values())))

</pallas_src>

<mosaic_0001>
#map = affine_map<(d0, d1) -> (0, 0)>
#map1 = affine_map<(d0, d1) -> (0)>
module attributes {stable_mosaic.version = 14 : i64} {
  func.func @body(%arg0: i32, %arg1: i32, %arg2: memref<50000x8xf32, #tpu.memory_space<hbm>>, %arg3: memref<3200000xi32, #tpu.memory_space<hbm>>, %arg4: memref<3200000xi32, #tpu.memory_space<hbm>>, %arg5: memref<1024xf32, #tpu.memory_space<hbm>>, %arg6: memref<1024xf32, #tpu.memory_space<hbm>>, %arg7: memref<112xf32, #tpu.memory_space<hbm>>, %arg8: memref<32x16xf32, #tpu.memory_space<hbm>>, %arg9: memref<1024xf32, #tpu.memory_space<vmem>>, %arg10: memref<1024xf32, #tpu.memory_space<vmem>>, %arg11: memref<112xf32, #tpu.memory_space<vmem>>, %arg12: memref<2000xi32, #tpu.memory_space<vmem>>, %arg13: memref<2000xi32, #tpu.memory_space<vmem>>, %arg14: memref<2000xi32, #tpu.memory_space<vmem>>, %arg15: memref<2000xi32, #tpu.memory_space<vmem>>, %arg16: memref<2000x8xf32, #tpu.memory_space<vmem>>, %arg17: memref<2000x8xf32, #tpu.memory_space<vmem>>, %arg18: memref<2000x8xf32, #tpu.memory_space<vmem>>, %arg19: memref<2000x8xf32, #tpu.memory_space<vmem>>, %arg20: memref<16xf32, #tpu.memory_space<vmem>>, %arg21: memref<!tpu.dma_semaphore, #tpu.memory_space<semaphore_mem>>, %arg22: memref<!tpu.dma_semaphore, #tpu.memory_space<semaphore_mem>>) attributes {dimension_semantics = [#tpu.dimension_semantics<core_parallel>, #tpu.dimension_semantics<subcore_parallel>], iteration_bounds = array<i64: 2, 16>, scalar_prefetch = 0 : i64, scratch_operands = 14 : i64, tpu.core_type = #tpu.core_type<sc_vector_subcore>, window_params = [{transform_indices = #map}, {transform_indices = #map1}, {transform_indices = #map1}, {transform_indices = #map1}, {transform_indices = #map1}, {transform_indices = #map1}, {transform_indices = #map}]} {
    %mul3A = arith.constant 2 : i32
    %mul3A_0 = arith.muli %arg1, %mul3A : i32
    %add3A = arith.addi %mul3A_0, %arg0 : i32
    %mul3A_1 = arith.constant 100000 : i32
    %mul3A_2 = arith.muli %add3A, %mul3A_1 : i32
    "tpu.region"() ({
      %run_scoped3A = tpu.sem_alloc : memref<!tpu.dma_semaphore, #tpu.memory_space<semaphore_mem>>
      tpu.enqueue_dma source(%arg5 : memref<1024xf32, #tpu.memory_space<hbm>>) target(%arg9 : memref<1024xf32, #tpu.memory_space<vmem>>) target_semaphore(%run_scoped3A : memref<!tpu.dma_semaphore, #tpu.memory_space<semaphore_mem>>)
      tpu.wait_dma2 semaphore(%run_scoped3A : memref<!tpu.dma_semaphore, #tpu.memory_space<semaphore_mem>>) src(%arg5 : memref<1024xf32, #tpu.memory_space<hbm>>) dst(%arg9 : memref<1024xf32, #tpu.memory_space<vmem>>)
      tpu.yield
    }) : () -> ()
    "tpu.region"() ({
      %run_scoped3A = tpu.sem_alloc : memref<!tpu.dma_semaphore, #tpu.memory_space<semaphore_mem>>
      tpu.enqueue_dma source(%arg6 : memref<1024xf32, #tpu.memory_space<hbm>>) target(%arg10 : memref<1024xf32, #tpu.memory_space<vmem>>) target_semaphore(%run_scoped3A : memref<!tpu.dma_semaphore, #tpu.memory_space<semaphore_mem>>)
      tpu.wait_dma2 semaphore(%run_scoped3A : memref<!tpu.dma_semaphore, #tpu.memory_space<semaphore_mem>>) src(%arg6 : memref<1024xf32, #tpu.memory_space<hbm>>) dst(%arg10 : memref<1024xf32, #tpu.memory_space<vmem>>)
      tpu.yield
    }) : () -> ()
    "tpu.region"() ({
      %run_scoped3A = tpu.sem_alloc : memref<!tpu.dma_semaphore, #tpu.memory_space<semaphore_mem>>
      tpu.enqueue_dma source(%arg7 : memref<112xf32, #tpu.memory_space<hbm>>) target(%arg11 : memref<112xf32, #tpu.memory_space<vmem>>) target_semaphore(%run_scoped3A : memref<!tpu.dma_semaphore, #tpu.memory_space<semaphore_mem>>)
      tpu.wait_dma2 semaphore(%run_scoped3A : memref<!tpu.dma_semaphore, #tpu.memory_space<semaphore_mem>>) src(%arg7 : memref<112xf32, #tpu.memory_space<hbm>>) dst(%arg11 : memref<112xf32, #tpu.memory_space<vmem>>)
      tpu.yield
    }) : () -> ()
    %get3A = arith.constant 0 : index
    %get3A_3 = tpu.vector_load %arg11[%get3A] {strides = array<i32>} : memref<112xf32, #tpu.memory_space<vmem>>, vector<16xf32>,
    %get3A_4 = arith.constant 16 : index
    %get3A_5 = tpu.vector_load %arg11[%get3A_4] {strides = array<i32>} : memref<112xf32, #tpu.memory_space<vmem>>, vector<16xf32>,
    %get3A_6 = arith.constant 32 : index
    %get3A_7 = tpu.vector_load %arg11[%get3A_6] {strides = array<i32>} : memref<112xf32, #tpu.memory_space<vmem>>, vector<16xf32>,
    %get3A_8 = arith.constant 48 : index
    %get3A_9 = tpu.vector_load %arg11[%get3A_8] {strides = array<i32>} : memref<112xf32, #tpu.memory_space<vmem>>, vector<16xf32>,
    %get3A_10 = arith.constant 64 : index
    %get3A_11 = tpu.vector_load %arg11[%get3A_10] {strides = array<i32>} : memref<112xf32, #tpu.memory_space<vmem>>, vector<16xf32>,
    %get3A_12 = arith.constant 80 : index
    %get3A_13 = tpu.vector_load %arg11[%get3A_12] {strides = array<i32>} : memref<112xf32, #tpu.memory_space<vmem>>, vector<16xf32>,
    %get3A_14 = arith.constant 96 : index
    %get3A_15 = tpu.vector_load %arg11[%get3A_14] {strides = array<i32>} : memref<112xf32, #tpu.memory_space<vmem>>, vector<16xf32>,
    %iota3A = tpu.iota {dimensions = array<i32: 0>} : vector<16xi32>
    %mul3A_16 = arith.constant 2 : i32
    %mul3A_17 = vector.broadcast %mul3A_16 : i32 to vector<16xi32>
    %mul3A_18 = arith.muli %iota3A, %mul3A_17 : vector<16xi32>
    %add3A_19 = arith.constant 0 : i32
    %add3A_20 = arith.addi %mul3A_2, %add3A_19 : i32
    %multiple_of3A = tpu.assume_multiple %add3A_20, 8 : i32
    "tpu.region"() ({
      %run_scoped3A = tpu.sem_alloc : memref<!tpu.dma_semaphore, #tpu.memory_space<semaphore_mem>>
      %dma_start3A_33 = tpu.memref_slice %arg3[%multiple_of3A] : memref<3200000xi32, #tpu.memory_space<hbm>> -> memref<2000xi32, #tpu.memory_space<hbm>>
      %dma_start3A_34 = tpu.memref_slice %arg3[%multiple_of3A] : memref<3200000xi32, #tpu.memory_space<hbm>> -> memref<2000xi32, #tpu.memory_space<hbm>>
      tpu.enqueue_dma source(%dma_start3A_34 : memref<2000xi32, #tpu.memory_space<hbm>>) target(%arg12 : memref<2000xi32, #tpu.memory_space<vmem>>) target_semaphore(%run_scoped3A : memref<!tpu.dma_semaphore, #tpu.memory_space<semaphore_mem>>)
      %dma_wait3A = tpu.memref_slice %arg3[%multiple_of3A] : memref<3200000xi32, #tpu.memory_space<hbm>> -> memref<2000xi32, #tpu.memory_space<hbm>>
      %dma_wait3A_35 = tpu.memref_slice %arg3[%multiple_of3A] : memref<3200000xi32, #tpu.memory_space<hbm>> -> memref<2000xi32, #tpu.memory_space<hbm>>
      tpu.wait_dma2 semaphore(%run_scoped3A : memref<!tpu.dma_semaphore, #tpu.memory_space<semaphore_mem>>) src(%dma_wait3A_35 : memref<2000xi32, #tpu.memory_space<hbm>>) dst(%arg12 : memref<2000xi32, #tpu.memory_space<vmem>>)
      tpu.yield
    }) : () -> ()
    "tpu.region"() ({
      %run_scoped3A = tpu.sem_alloc : memref<!tpu.dma_semaphore, #tpu.memory_space<semaphore_mem>>
      %dma_start3A_33 = tpu.memref_slice %arg4[%multiple_of3A] : memref<3200000xi32, #tpu.memory_space<hbm>> -> memref<2000xi32, #tpu.memory_space<hbm>>
      %dma_start3A_34 = tpu.memref_slice %arg4[%multiple_of3A] : memref<3200000xi32, #tpu.memory_space<hbm>> -> memref<2000xi32, #tpu.memory_space<hbm>>
      tpu.enqueue_dma source(%dma_start3A_34 : memref<2000xi32, #tpu.memory_space<hbm>>) target(%arg13 : memref<2000xi32, #tpu.memory_space<vmem>>) target_semaphore(%run_scoped3A : memref<!tpu.dma_semaphore, #tpu.memory_space<semaphore_mem>>)
      %dma_wait3A = tpu.memref_slice %arg4[%multiple_of3A] : memref<3200000xi32, #tpu.memory_space<hbm>> -> memref<2000xi32, #tpu.memory_space<hbm>>
      %dma_wait3A_35 = tpu.memref_slice %arg4[%multiple_of3A] : memref<3200000xi32, #tpu.memory_space<hbm>> -> memref<2000xi32, #tpu.memory_space<hbm>>
      tpu.wait_dma2 semaphore(%run_scoped3A : memref<!tpu.dma_semaphore, #tpu.memory_space<semaphore_mem>>) src(%dma_wait3A_35 : memref<2000xi32, #tpu.memory_space<hbm>>) dst(%arg13 : memref<2000xi32, #tpu.memory_space<vmem>>)
      tpu.yield
    }) : () -> ()
    %dma_start3A = arith.constant 0 : i32
    %dma_start3A_21 = arith.constant 0 : i32
    %dma_start3A_22 = tpu.memref_slice %arg2[%dma_start3A, %dma_start3A_21] : memref<50000x8xf32, #tpu.memory_space<hbm>> -> memref<50000x8xf32, #tpu.memory_space<hbm>>
    tpu.enqueue_indirect_dma source(%dma_start3A_22 : memref<50000x8xf32, #tpu.memory_space<hbm>>) target(%arg16 : memref<2000x8xf32, #tpu.memory_space<vmem>>) offsets(%arg12 : memref<2000xi32, #tpu.memory_space<vmem>>) semaphore(%arg21 : memref<!tpu.dma_semaphore, #tpu.memory_space<semaphore_mem>>)
    %dma_start3A_23 = arith.constant 0 : i32
    %dma_start3A_24 = arith.constant 0 : i32
    %dma_start3A_25 = tpu.memref_slice %arg2[%dma_start3A_23, %dma_start3A_24] : memref<50000x8xf32, #tpu.memory_space<hbm>> -> memref<50000x8xf32, #tpu.memory_space<hbm>>
    tpu.enqueue_indirect_dma source(%dma_start3A_25 : memref<50000x8xf32, #tpu.memory_space<hbm>>) target(%arg17 : memref<2000x8xf32, #tpu.memory_space<vmem>>) offsets(%arg13 : memref<2000xi32, #tpu.memory_space<vmem>>) semaphore(%arg21 : memref<!tpu.dma_semaphore, #tpu.memory_space<semaphore_mem>>)
    %broadcast_in_dim3A = arith.constant 0.000000e+00 : f32
    %broadcast_in_dim3A_26 = vector.broadcast %broadcast_in_dim3A : f32 to vector<16xf32>
    %scan3A = arith.constant 0 : i32
    %scan3A_27 = arith.constant 25 : i32
    %scan3A_28 = arith.addi %scan3A, %scan3A_27 : i32
    %scan3A_29 = arith.constant 1 : i32
    %scan3A_30 = scf.for %scan3A_33 = %scan3A to %scan3A_28 step %scan3A_29 iter_args(%scan3A_34 = %broadcast_in_dim3A_26) -> (vector<16xf32>)  : i32 {
      %mul3A_35 = arith.constant 2 : i32
      %mul3A_36 = arith.muli %mul3A_35, %scan3A_33 : i32
      %add3A_37 = arith.constant 1 : i32
      %add3A_38 = arith.addi %mul3A_36, %add3A_37 : i32
      %mul3A_39 = arith.constant 2000 : i32
      %mul3A_40 = arith.muli %add3A_38, %mul3A_39 : i32
      %add3A_41 = arith.addi %mul3A_2, %mul3A_40 : i32
      %multiple_of3A_42 = tpu.assume_multiple %add3A_41, 8 : i32
      "tpu.region"() ({
        %run_scoped3A = tpu.sem_alloc : memref<!tpu.dma_semaphore, #tpu.memory_space<semaphore_mem>>
        %dma_start3A_76 = tpu.memref_slice %arg3[%multiple_of3A_42] : memref<3200000xi32, #tpu.memory_space<hbm>> -> memref<2000xi32, #tpu.memory_space<hbm>>
        %dma_start3A_77 = tpu.memref_slice %arg3[%multiple_of3A_42] : memref<3200000xi32, #tpu.memory_space<hbm>> -> memref<2000xi32, #tpu.memory_space<hbm>>
        tpu.enqueue_dma source(%dma_start3A_77 : memref<2000xi32, #tpu.memory_space<hbm>>) target(%arg14 : memref<2000xi32, #tpu.memory_space<vmem>>) target_semaphore(%run_scoped3A : memref<!tpu.dma_semaphore, #tpu.memory_space<semaphore_mem>>)
        %dma_wait3A_78 = tpu.memref_slice %arg3[%multiple_of3A_42] : memref<3200000xi32, #tpu.memory_space<hbm>> -> memref<2000xi32, #tpu.memory_space<hbm>>
        %dma_wait3A_79 = tpu.memref_slice %arg3[%multiple_of3A_42] : memref<3200000xi32, #tpu.memory_space<hbm>> -> memref<2000xi32, #tpu.memory_space<hbm>>
        tpu.wait_dma2 semaphore(%run_scoped3A : memref<!tpu.dma_semaphore, #tpu.memory_space<semaphore_mem>>) src(%dma_wait3A_79 : memref<2000xi32, #tpu.memory_space<hbm>>) dst(%arg14 : memref<2000xi32, #tpu.memory_space<vmem>>)
        tpu.yield
      }) : () -> ()
      "tpu.region"() ({
        %run_scoped3A = tpu.sem_alloc : memref<!tpu.dma_semaphore, #tpu.memory_space<semaphore_mem>>
        %dma_start3A_76 = tpu.memref_slice %arg4[%multiple_of3A_42] : memref<3200000xi32, #tpu.memory_space<hbm>> -> memref<2000xi32, #tpu.memory_space<hbm>>
        %dma_start3A_77 = tpu.memref_slice %arg4[%multiple_of3A_42] : memref<3200000xi32, #tpu.memory_space<hbm>> -> memref<2000xi32, #tpu.memory_space<hbm>>
        tpu.enqueue_dma source(%dma_start3A_77 : memref<2000xi32, #tpu.memory_space<hbm>>) target(%arg15 : memref<2000xi32, #tpu.memory_space<vmem>>) target_semaphore(%run_scoped3A : memref<!tpu.dma_semaphore, #tpu.memory_space<semaphore_mem>>)
        %dma_wait3A_78 = tpu.memref_slice %arg4[%multiple_of3A_42] : memref<3200000xi32, #tpu.memory_space<hbm>> -> memref<2000xi32, #tpu.memory_space<hbm>>
        %dma_wait3A_79 = tpu.memref_slice %arg4[%multiple_of3A_42] : memref<3200000xi32, #tpu.memory_space<hbm>> -> memref<2000xi32, #tpu.memory_space<hbm>>
        tpu.wait_dma2 semaphore(%run_scoped3A : memref<!tpu.dma_semaphore, #tpu.memory_space<semaphore_mem>>) src(%dma_wait3A_79 : memref<2000xi32, #tpu.memory_space<hbm>>) dst(%arg15 : memref<2000xi32, #tpu.memory_space<vmem>>)
        tpu.yield
      }) : () -> ()
      %dma_start3A_43 = arith.constant 0 : i32
      %dma_start3A_44 = arith.constant 0 : i32
      %dma_start3A_45 = tpu.memref_slice %arg2[%dma_start3A_43, %dma_start3A_44] : memref<50000x8xf32, #tpu.memory_space<hbm>> -> memref<50000x8xf32, #tpu.memory_space<hbm>>
      tpu.enqueue_indirect_dma source(%dma_start3A_45 : memref<50000x8xf32, #tpu.memory_space<hbm>>) target(%arg18 : memref<2000x8xf32, #tpu.memory_space<vmem>>) offsets(%arg14 : memref<2000xi32, #tpu.memory_space<vmem>>) semaphore(%arg22 : memref<!tpu.dma_semaphore, #tpu.memory_space<semaphore_mem>>)
      %dma_start3A_46 = arith.constant 0 : i32
      %dma_start3A_47 = arith.constant 0 : i32
      %dma_start3A_48 = tpu.memref_slice %arg2[%dma_start3A_46, %dma_start3A_47] : memref<50000x8xf32, #tpu.memory_space<hbm>> -> memref<50000x8xf32, #tpu.memory_space<hbm>>
      tpu.enqueue_indirect_dma source(%dma_start3A_48 : memref<50000x8xf32, #tpu.memory_space<hbm>>) target(%arg19 : memref<2000x8xf32, #tpu.memory_space<vmem>>) offsets(%arg15 : memref<2000xi32, #tpu.memory_space<vmem>>) semaphore(%arg22 : memref<!tpu.dma_semaphore, #tpu.memory_space<semaphore_mem>>)
      %dma_wait3A = arith.constant 0 : i32
      %dma_wait3A_49 = arith.constant 0 : i32
      %dma_wait3A_50 = tpu.memref_slice %arg2[%dma_wait3A, %dma_wait3A_49] : memref<50000x8xf32, #tpu.memory_space<hbm>> -> memref<50000x8xf32, #tpu.memory_space<hbm>>
      tpu.wait_indirect_dma semaphore(%arg21 : memref<!tpu.dma_semaphore, #tpu.memory_space<semaphore_mem>>) src(%dma_wait3A_50 : memref<50000x8xf32, #tpu.memory_space<hbm>>) dst(%arg16 : memref<2000x8xf32, #tpu.memory_space<vmem>>)
      %dma_wait3A_51 = arith.constant 0 : i32
      %dma_wait3A_52 = arith.constant 0 : i32
      %dma_wait3A_53 = tpu.memref_slice %arg2[%dma_wait3A_51, %dma_wait3A_52] : memref<50000x8xf32, #tpu.memory_space<hbm>> -> memref<50000x8xf32, #tpu.memory_space<hbm>>
      tpu.wait_indirect_dma semaphore(%arg21 : memref<!tpu.dma_semaphore, #tpu.memory_space<semaphore_mem>>) src(%dma_wait3A_53 : memref<50000x8xf32, #tpu.memory_space<hbm>>) dst(%arg17 : memref<2000x8xf32, #tpu.memory_space<vmem>>)
      %scan3A_54 = arith.constant 0 : i32
      %scan3A_55 = arith.constant 125 : i32
      %scan3A_56 = arith.addi %scan3A_54, %scan3A_55 : i32
      %scan3A_57 = arith.constant 1 : i32
      %scan3A_58 = scf.for %scan3A_76 = %scan3A_54 to %scan3A_56 step %scan3A_57 iter_args(%scan3A_77 = %scan3A_34) -> (vector<16xf32>)  : i32 {
        %mul3A_78 = arith.constant 16 : i32
        %mul3A_79 = arith.muli %scan3A_76, %mul3A_78 : i32
        %add3A_80 = vector.broadcast %mul3A_79 : i32 to vector<16xi32>
        %add3A_81 = arith.addi %iota3A, %add3A_80 : vector<16xi32>
        %sub3A = arith.subi %iota3A, %iota3A : vector<16xi32>
        %add3A_82 = arith.constant 3 : i32
        %add3A_83 = vector.broadcast %add3A_82 : i32 to vector<16xi32>
        %add3A_84 = arith.addi %sub3A, %add3A_83 : vector<16xi32>
        %gather3A = tpu.vector_load_idx %arg16[%add3A_81, %add3A_84] : memref<2000x8xf32, #tpu.memory_space<vmem>>[vector<16xi32>, vector<16xi32>], vector<16xf32>,
        %convert_element_type3A_85 = arith.fptosi %gather3A : vector<16xf32> to vector<16xi32>
        %add3A_86 = arith.constant 3 : i32
        %add3A_87 = vector.broadcast %add3A_86 : i32 to vector<16xi32>
        %add3A_88 = arith.addi %sub3A, %add3A_87 : vector<16xi32>
        %gather3A_89 = tpu.vector_load_idx %arg17[%add3A_81, %add3A_88] : memref<2000x8xf32, #tpu.memory_space<vmem>>[vector<16xi32>, vector<16xi32>], vector<16xf32>,
        %convert_element_type3A_90 = arith.fptosi %gather3A_89 : vector<16xf32> to vector<16xi32>
        %mul3A_91 = arith.constant 32 : i32
        %mul3A_92 = vector.broadcast %mul3A_91 : i32 to vector<16xi32>
        %mul3A_93 = arith.muli %convert_element_type3A_85, %mul3A_92 : vector<16xi32>
        %add3A_94 = arith.addi %mul3A_93, %convert_element_type3A_90 : vector<16xi32>
        %gather3A_95 = tpu.vector_load_idx %arg9[%add3A_94] : memref<1024xf32, #tpu.memory_space<vmem>>[vector<16xi32>], vector<16xf32>,
        %gather3A_96 = tpu.vector_load_idx %arg10[%add3A_94] : memref<1024xf32, #tpu.memory_space<vmem>>[vector<16xi32>], vector<16xf32>,
        %gather3A_97 = tpu.vector_load_idx %arg16[%add3A_81, %sub3A] : memref<2000x8xf32, #tpu.memory_space<vmem>>[vector<16xi32>, vector<16xi32>], vector<16xf32>,
        %add3A_98 = arith.constant 1 : i32
        %add3A_99 = vector.broadcast %add3A_98 : i32 to vector<16xi32>
        %add3A_100 = arith.addi %sub3A, %add3A_99 : vector<16xi32>
        %gather3A_101 = tpu.vector_load_idx %arg16[%add3A_81, %add3A_100] : memref<2000x8xf32, #tpu.memory_space<vmem>>[vector<16xi32>, vector<16xi32>], vector<16xf32>,
        %add3A_102 = arith.constant 2 : i32
        %add3A_103 = vector.broadcast %add3A_102 : i32 to vector<16xi32>
        %add3A_104 = arith.addi %sub3A, %add3A_103 : vector<16xi32>
        %gather3A_105 = tpu.vector_load_idx %arg16[%add3A_81, %add3A_104] : memref<2000x8xf32, #tpu.memory_space<vmem>>[vector<16xi32>, vector<16xi32>], vector<16xf32>,
        %gather3A_106 = tpu.vector_load_idx %arg17[%add3A_81, %sub3A] : memref<2000x8xf32, #tpu.memory_space<vmem>>[vector<16xi32>, vector<16xi32>], vector<16xf32>,
        %add3A_107 = arith.constant 1 : i32
        %add3A_108 = vector.broadcast %add3A_107 : i32 to vector<16xi32>
        %add3A_109 = arith.addi %sub3A, %add3A_108 : vector<16xi32>
        %gather3A_110 = tpu.vector_load_idx %arg17[%add3A_81, %add3A_109] : memref<2000x8xf32, #tpu.memory_space<vmem>>[vector<16xi32>, vector<16xi32>], vector<16xf32>,
        %add3A_111 = arith.constant 2 : i32
        %add3A_112 = vector.broadcast %add3A_111 : i32 to vector<16xi32>
        %add3A_113 = arith.addi %sub3A, %add3A_112 : vector<16xi32>
        %gather3A_114 = tpu.vector_load_idx %arg17[%add3A_81, %add3A_113] : memref<2000x8xf32, #tpu.memory_space<vmem>>[vector<16xi32>, vector<16xi32>], vector<16xf32>,
        %sub3A_115 = arith.subf %gather3A_97, %gather3A_106 : vector<16xf32>
        %bitcast3A = vector.bitcast %sub3A_115 : vector<16xf32> to vector<16xi32>
        %add3A_116 = arith.constant 32767 : i32
        %add3A_117 = vector.broadcast %add3A_116 : i32 to vector<16xi32>
        %add3A_118 = arith.addi %bitcast3A, %add3A_117 : vector<16xi32>
        %shift_right_arithmetic3A = arith.constant 16 : i32
        %shift_right_arithmetic3A_119 = vector.broadcast %shift_right_arithmetic3A : i32 to vector<16xi32>
        %shift_right_arithmetic3A_120 = arith.shrsi %bitcast3A, %shift_right_arithmetic3A_119 : vector<16xi32>
        %and3A = arith.constant 1 : i32
        %and3A_121 = vector.broadcast %and3A : i32 to vector<16xi32>
        %and3A_122 = arith.andi %shift_right_arithmetic3A_120, %and3A_121 : vector<16xi32>
        %add3A_123 = arith.addi %add3A_118, %and3A_122 : vector<16xi32>
        %and3A_124 = arith.constant -65536 : i32
        %and3A_125 = vector.broadcast %and3A_124 : i32 to vector<16xi32>
        %and3A_126 = arith.andi %add3A_123, %and3A_125 : vector<16xi32>
        %bitcast3A_127 = vector.bitcast %and3A_126 : vector<16xi32> to vector<16xf32>
        %mul3A_128 = arith.mulf %bitcast3A_127, %get3A_3 : vector<16xf32>
        %gt3A = arith.constant 5.000000e-01 : f32
        %gt3A_129 = vector.broadcast %gt3A : f32 to vector<16xf32>
        %gt3A_130 = arith.cmpf ogt, %mul3A_128, %gt3A_129 : vector<16xf32>
        %jit3A = arith.constant 1.000000e+00 : f32
        %jit3A_131 = arith.constant 0.000000e+00 : f32
        %broadcast_in_dim3A_132 = vector.broadcast %jit3A : f32 to vector<16xf32>
        %broadcast_in_dim3A_133 = vector.broadcast %jit3A_131 : f32 to vector<16xf32>
        %select_n3A = arith.select %gt3A_130, %broadcast_in_dim3A_132, %broadcast_in_dim3A_133 : vector<16xi1>, vector<16xf32>
        %lt3A_134 = arith.constant -5.000000e-01 : f32
        %lt3A_135 = vector.broadcast %lt3A_134 : f32 to vector<16xf32>
        %lt3A_136 = arith.cmpf olt, %mul3A_128, %lt3A_135 : vector<16xf32>
        %jit3A_137 = arith.constant -1.000000e+00 : f32
        %jit3A_138 = arith.constant 0.000000e+00 : f32
        %broadcast_in_dim3A_139 = vector.broadcast %jit3A_137 : f32 to vector<16xf32>
        %broadcast_in_dim3A_140 = vector.broadcast %jit3A_138 : f32 to vector<16xf32>
        %select_n3A_141 = arith.select %lt3A_136, %broadcast_in_dim3A_139, %broadcast_in_dim3A_140 : vector<16xi1>, vector<16xf32>
        %add3A_142 = arith.addf %select_n3A, %select_n3A_141 : vector<16xf32>
        %sub3A_143 = arith.subf %mul3A_128, %add3A_142 : vector<16xf32>
        %bitcast3A_144 = vector.bitcast %sub3A_143 : vector<16xf32> to vector<16xi32>
        %add3A_145 = arith.constant 32767 : i32
        %add3A_146 = vector.broadcast %add3A_145 : i32 to vector<16xi32>
        %add3A_147 = arith.addi %bitcast3A_144, %add3A_146 : vector<16xi32>
        %shift_right_arithmetic3A_148 = arith.constant 16 : i32
        %shift_right_arithmetic3A_149 = vector.broadcast %shift_right_arithmetic3A_148 : i32 to vector<16xi32>
        %shift_right_arithmetic3A_150 = arith.shrsi %bitcast3A_144, %shift_right_arithmetic3A_149 : vector<16xi32>
        %and3A_151 = arith.constant 1 : i32
        %and3A_152 = vector.broadcast %and3A_151 : i32 to vector<16xi32>
        %and3A_153 = arith.andi %shift_right_arithmetic3A_150, %and3A_152 : vector<16xi32>
        %add3A_154 = arith.addi %add3A_147, %and3A_153 : vector<16xi32>
        %and3A_155 = arith.constant -65536 : i32
        %and3A_156 = vector.broadcast %and3A_155 : i32 to vector<16xi32>
        %and3A_157 = arith.andi %add3A_154, %and3A_156 : vector<16xi32>
        %bitcast3A_158 = vector.bitcast %and3A_157 : vector<16xi32> to vector<16xf32>
        %mul3A_159 = arith.mulf %bitcast3A_158, %get3A_9 : vector<16xf32>
        %sub3A_160 = arith.subf %gather3A_101, %gather3A_110 : vector<16xf32>
        %bitcast3A_161 = vector.bitcast %sub3A_160 : vector<16xf32> to vector<16xi32>
        %add3A_162 = arith.constant 32767 : i32
        %add3A_163 = vector.broadcast %add3A_162 : i32 to vector<16xi32>
        %add3A_164 = arith.addi %bitcast3A_161, %add3A_163 : vector<16xi32>
        %shift_right_arithmetic3A_165 = arith.constant 16 : i32
        %shift_right_arithmetic3A_166 = vector.broadcast %shift_right_arithmetic3A_165 : i32 to vector<16xi32>
        %shift_right_arithmetic3A_167 = arith.shrsi %bitcast3A_161, %shift_right_arithmetic3A_166 : vector<16xi32>
        %and3A_168 = arith.constant 1 : i32
        %and3A_169 = vector.broadcast %and3A_168 : i32 to vector<16xi32>
        %and3A_170 = arith.andi %shift_right_arithmetic3A_167, %and3A_169 : vector<16xi32>
        %add3A_171 = arith.addi %add3A_164, %and3A_170 : vector<16xi32>
        %and3A_172 = arith.constant -65536 : i32
        %and3A_173 = vector.broadcast %and3A_172 : i32 to vector<16xi32>
        %and3A_174 = arith.andi %add3A_171, %and3A_173 : vector<16xi32>
        %bitcast3A_175 = vector.bitcast %and3A_174 : vector<16xi32> to vector<16xf32>
        %mul3A_176 = arith.mulf %bitcast3A_175, %get3A_5 : vector<16xf32>
        %gt3A_177 = arith.constant 5.000000e-01 : f32
        %gt3A_178 = vector.broadcast %gt3A_177 : f32 to vector<16xf32>
        %gt3A_179 = arith.cmpf ogt, %mul3A_176, %gt3A_178 : vector<16xf32>
        %jit3A_180 = arith.constant 1.000000e+00 : f32
        %jit3A_181 = arith.constant 0.000000e+00 : f32
        %broadcast_in_dim3A_182 = vector.broadcast %jit3A_180 : f32 to vector<16xf32>
        %broadcast_in_dim3A_183 = vector.broadcast %jit3A_181 : f32 to vector<16xf32>
        %select_n3A_184 = arith.select %gt3A_179, %broadcast_in_dim3A_182, %broadcast_in_dim3A_183 : vector<16xi1>, vector<16xf32>
        %lt3A_185 = arith.constant -5.000000e-01 : f32
        %lt3A_186 = vector.broadcast %lt3A_185 : f32 to vector<16xf32>
        %lt3A_187 = arith.cmpf olt, %mul3A_176, %lt3A_186 : vector<16xf32>
        %jit3A_188 = arith.constant -1.000000e+00 : f32
        %jit3A_189 = arith.constant 0.000000e+00 : f32
        %broadcast_in_dim3A_190 = vector.broadcast %jit3A_188 : f32 to vector<16xf32>
        %broadcast_in_dim3A_191 = vector.broadcast %jit3A_189 : f32 to vector<16xf32>
        %select_n3A_192 = arith.select %lt3A_187, %broadcast_in_dim3A_190, %broadcast_in_dim3A_191 : vector<16xi1>, vector<16xf32>
        %add3A_193 = arith.addf %select_n3A_184, %select_n3A_192 : vector<16xf32>
        %sub3A_194 = arith.subf %mul3A_176, %add3A_193 : vector<16xf32>
        %bitcast3A_195 = vector.bitcast %sub3A_194 : vector<16xf32> to vector<16xi32>
        %add3A_196 = arith.constant 32767 : i32
        %add3A_197 = vector.broadcast %add3A_196 : i32 to vector<16xi32>
        %add3A_198 = arith.addi %bitcast3A_195, %add3A_197 : vector<16xi32>
        %shift_right_arithmetic3A_199 = arith.constant 16 : i32
        %shift_right_arithmetic3A_200 = vector.broadcast %shift_right_arithmetic3A_199 : i32 to vector<16xi32>
        %shift_right_arithmetic3A_201 = arith.shrsi %bitcast3A_195, %shift_right_arithmetic3A_200 : vector<16xi32>
        %and3A_202 = arith.constant 1 : i32
        %and3A_203 = vector.broadcast %and3A_202 : i32 to vector<16xi32>
        %and3A_204 = arith.andi %shift_right_arithmetic3A_201, %and3A_203 : vector<16xi32>
        %add3A_205 = arith.addi %add3A_198, %and3A_204 : vector<16xi32>
        %and3A_206 = arith.constant -65536 : i32
        %and3A_207 = vector.broadcast %and3A_206 : i32 to vector<16xi32>
        %and3A_208 = arith.andi %add3A_205, %and3A_207 : vector<16xi32>
        %bitcast3A_209 = vector.bitcast %and3A_208 : vector<16xi32> to vector<16xf32>
        %mul3A_210 = arith.mulf %bitcast3A_209, %get3A_11 : vector<16xf32>
        %sub3A_211 = arith.subf %gather3A_105, %gather3A_114 : vector<16xf32>
        %bitcast3A_212 = vector.bitcast %sub3A_211 : vector<16xf32> to vector<16xi32>
        %add3A_213 = arith.constant 32767 : i32
        %add3A_214 = vector.broadcast %add3A_213 : i32 to vector<16xi32>
        %add3A_215 = arith.addi %bitcast3A_212, %add3A_214 : vector<16xi32>
        %shift_right_arithmetic3A_216 = arith.constant 16 : i32
        %shift_right_arithmetic3A_217 = vector.broadcast %shift_right_arithmetic3A_216 : i32 to vector<16xi32>
        %shift_right_arithmetic3A_218 = arith.shrsi %bitcast3A_212, %shift_right_arithmetic3A_217 : vector<16xi32>
        %and3A_219 = arith.constant 1 : i32
        %and3A_220 = vector.broadcast %and3A_219 : i32 to vector<16xi32>
        %and3A_221 = arith.andi %shift_right_arithmetic3A_218, %and3A_220 : vector<16xi32>
        %add3A_222 = arith.addi %add3A_215, %and3A_221 : vector<16xi32>
        %and3A_223 = arith.constant -65536 : i32
        %and3A_224 = vector.broadcast %and3A_223 : i32 to vector<16xi32>
        %and3A_225 = arith.andi %add3A_222, %and3A_224 : vector<16xi32>
        %bitcast3A_226 = vector.bitcast %and3A_225 : vector<16xi32> to vector<16xf32>
        %mul3A_227 = arith.mulf %bitcast3A_226, %get3A_7 : vector<16xf32>
        %gt3A_228 = arith.constant 5.000000e-01 : f32
        %gt3A_229 = vector.broadcast %gt3A_228 : f32 to vector<16xf32>
        %gt3A_230 = arith.cmpf ogt, %mul3A_227, %gt3A_229 : vector<16xf32>
        %jit3A_231 = arith.constant 1.000000e+00 : f32
        %jit3A_232 = arith.constant 0.000000e+00 : f32
        %broadcast_in_dim3A_233 = vector.broadcast %jit3A_231 : f32 to vector<16xf32>
        %broadcast_in_dim3A_234 = vector.broadcast %jit3A_232 : f32 to vector<16xf32>
        %select_n3A_235 = arith.select %gt3A_230, %broadcast_in_dim3A_233, %broadcast_in_dim3A_234 : vector<16xi1>, vector<16xf32>
        %lt3A_236 = arith.constant -5.000000e-01 : f32
        %lt3A_237 = vector.broadcast %lt3A_236 : f32 to vector<16xf32>
        %lt3A_238 = arith.cmpf olt, %mul3A_227, %lt3A_237 : vector<16xf32>
        %jit3A_239 = arith.constant -1.000000e+00 : f32
        %jit3A_240 = arith.constant 0.000000e+00 : f32
        %broadcast_in_dim3A_241 = vector.broadcast %jit3A_239 : f32 to vector<16xf32>
        %broadcast_in_dim3A_242 = vector.broadcast %jit3A_240 : f32 to vector<16xf32>
        %select_n3A_243 = arith.select %lt3A_238, %broadcast_in_dim3A_241, %broadcast_in_dim3A_242 : vector<16xi1>, vector<16xf32>
        %add3A_244 = arith.addf %select_n3A_235, %select_n3A_243 : vector<16xf32>
        %sub3A_245 = arith.subf %mul3A_227, %add3A_244 : vector<16xf32>
        %bitcast3A_246 = vector.bitcast %sub3A_245 : vector<16xf32> to vector<16xi32>
        %add3A_247 = arith.constant 32767 : i32
        %add3A_248 = vector.broadcast %add3A_247 : i32 to vector<16xi32>
        %add3A_249 = arith.addi %bitcast3A_246, %add3A_248 : vector<16xi32>
        %shift_right_arithmetic3A_250 = arith.constant 16 : i32
        %shift_right_arithmetic3A_251 = vector.broadcast %shift_right_arithmetic3A_250 : i32 to vector<16xi32>
        %shift_right_arithmetic3A_252 = arith.shrsi %bitcast3A_246, %shift_right_arithmetic3A_251 : vector<16xi32>
        %and3A_253 = arith.constant 1 : i32
        %and3A_254 = vector.broadcast %and3A_253 : i32 to vector<16xi32>
        %and3A_255 = arith.andi %shift_right_arithmetic3A_252, %and3A_254 : vector<16xi32>
        %add3A_256 = arith.addi %add3A_249, %and3A_255 : vector<16xi32>
        %and3A_257 = arith.constant -65536 : i32
        %and3A_258 = vector.broadcast %and3A_257 : i32 to vector<16xi32>
        %and3A_259 = arith.andi %add3A_256, %and3A_258 : vector<16xi32>
        %bitcast3A_260 = vector.bitcast %and3A_259 : vector<16xi32> to vector<16xf32>
        %mul3A_261 = arith.mulf %bitcast3A_260, %get3A_13 : vector<16xf32>
        %mul3A_262 = arith.mulf %mul3A_159, %mul3A_159 : vector<16xf32>
        %mul3A_263 = arith.mulf %mul3A_210, %mul3A_210 : vector<16xf32>
        %add3A_264 = arith.addf %mul3A_262, %mul3A_263 : vector<16xf32>
        %mul3A_265 = arith.mulf %mul3A_261, %mul3A_261 : vector<16xf32>
        %add3A_266 = arith.addf %add3A_264, %mul3A_265 : vector<16xf32>
        %max3A = arith.constant 9.99999997E-7 : f32
        %max3A_267 = vector.broadcast %max3A : f32 to vector<16xf32>
        %max3A_268 = arith.maximumf %add3A_266, %max3A_267 : vector<16xf32>
        %mul3A_269 = arith.mulf %gather3A_95, %gather3A_95 : vector<16xf32>
        %div3A = arith.divf %mul3A_269, %max3A_268 : vector<16xf32>
        %mul3A_270 = arith.mulf %div3A, %div3A : vector<16xf32>
        %mul3A_271 = arith.mulf %mul3A_270, %div3A : vector<16xf32>
        %mul3A_272 = arith.constant 4.000000e+00 : f32
        %mul3A_273 = vector.broadcast %mul3A_272 : f32 to vector<16xf32>
        %mul3A_274 = arith.mulf %mul3A_273, %gather3A_96 : vector<16xf32>
        %mul3A_275 = arith.mulf %mul3A_274, %mul3A_271 : vector<16xf32>
        %sub3A_276 = arith.constant 1.000000e+00 : f32
        %sub3A_277 = vector.broadcast %sub3A_276 : f32 to vector<16xf32>
        %sub3A_278 = arith.subf %mul3A_271, %sub3A_277 : vector<16xf32>
        %mul3A_279 = arith.mulf %mul3A_275, %sub3A_278 : vector<16xf32>
        %lt3A_280 = arith.cmpf olt, %max3A_268, %get3A_15 : vector<16xf32>
        %broadcast_in_dim3A_281 = arith.constant 0.000000e+00 : f32
        %broadcast_in_dim3A_282 = vector.broadcast %broadcast_in_dim3A_281 : f32 to vector<16xf32>
        %select_n3A_283 = arith.select %lt3A_280, %mul3A_279, %broadcast_in_dim3A_282 : vector<16xi1>, vector<16xf32>
        %add3A_284 = arith.addf %scan3A_77, %select_n3A_283 : vector<16xf32>
        scf.yield %add3A_284 : vector<16xf32>
      }
      %scan3A_59 = arith.constant 125 : i32
      %add3A_60 = arith.constant 1 : i32
      %add3A_61 = arith.addi %scan3A_33, %add3A_60 : i32
      %lt3A = arith.constant 25 : i32
      %lt3A_62 = arith.cmpi slt, %add3A_61, %lt3A : i32
      %convert_element_type3A = arith.extui %lt3A_62 : i1 to i32
      %cond3A = arith.constant 0 : i32
      %cond3A_63 = arith.cmpi ne, %convert_element_type3A, %cond3A : i32
      scf.if %cond3A_63 {
        %mul3A_76 = arith.constant 2 : i32
        %mul3A_77 = arith.muli %mul3A_76, %scan3A_33 : i32
        %add3A_78 = arith.constant 2 : i32
        %add3A_79 = arith.addi %mul3A_77, %add3A_78 : i32
        %mul3A_80 = arith.constant 2000 : i32
        %mul3A_81 = arith.muli %add3A_79, %mul3A_80 : i32
        %add3A_82 = arith.addi %mul3A_2, %mul3A_81 : i32
        %multiple_of3A_83 = tpu.assume_multiple %add3A_82, 8 : i32
        "tpu.region"() ({
          %run_scoped3A = tpu.sem_alloc : memref<!tpu.dma_semaphore, #tpu.memory_space<semaphore_mem>>
          %dma_start3A_90 = tpu.memref_slice %arg3[%multiple_of3A_83] : memref<3200000xi32, #tpu.memory_space<hbm>> -> memref<2000xi32, #tpu.memory_space<hbm>>
          %dma_start3A_91 = tpu.memref_slice %arg3[%multiple_of3A_83] : memref<3200000xi32, #tpu.memory_space<hbm>> -> memref<2000xi32, #tpu.memory_space<hbm>>
          tpu.enqueue_dma source(%dma_start3A_91 : memref<2000xi32, #tpu.memory_space<hbm>>) target(%arg12 : memref<2000xi32, #tpu.memory_space<vmem>>) target_semaphore(%run_scoped3A : memref<!tpu.dma_semaphore, #tpu.memory_space<semaphore_mem>>)
          %dma_wait3A_92 = tpu.memref_slice %arg3[%multiple_of3A_83] : memref<3200000xi32, #tpu.memory_space<hbm>> -> memref<2000xi32, #tpu.memory_space<hbm>>
          %dma_wait3A_93 = tpu.memref_slice %arg3[%multiple_of3A_83] : memref<3200000xi32, #tpu.memory_space<hbm>> -> memref<2000xi32, #tpu.memory_space<hbm>>
          tpu.wait_dma2 semaphore(%run_scoped3A : memref<!tpu.dma_semaphore, #tpu.memory_space<semaphore_mem>>) src(%dma_wait3A_93 : memref<2000xi32, #tpu.memory_space<hbm>>) dst(%arg12 : memref<2000xi32, #tpu.memory_space<vmem>>)
          tpu.yield
        }) : () -> ()
        "tpu.region"() ({
          %run_scoped3A = tpu.sem_alloc : memref<!tpu.dma_semaphore, #tpu.memory_space<semaphore_mem>>
          %dma_start3A_90 = tpu.memref_slice %arg4[%multiple_of3A_83] : memref<3200000xi32, #tpu.memory_space<hbm>> -> memref<2000xi32, #tpu.memory_space<hbm>>
          %dma_start3A_91 = tpu.memref_slice %arg4[%multiple_of3A_83] : memref<3200000xi32, #tpu.memory_space<hbm>> -> memref<2000xi32, #tpu.memory_space<hbm>>
          tpu.enqueue_dma source(%dma_start3A_91 : memref<2000xi32, #tpu.memory_space<hbm>>) target(%arg13 : memref<2000xi32, #tpu.memory_space<vmem>>) target_semaphore(%run_scoped3A : memref<!tpu.dma_semaphore, #tpu.memory_space<semaphore_mem>>)
          %dma_wait3A_92 = tpu.memref_slice %arg4[%multiple_of3A_83] : memref<3200000xi32, #tpu.memory_space<hbm>> -> memref<2000xi32, #tpu.memory_space<hbm>>
          %dma_wait3A_93 = tpu.memref_slice %arg4[%multiple_of3A_83] : memref<3200000xi32, #tpu.memory_space<hbm>> -> memref<2000xi32, #tpu.memory_space<hbm>>
          tpu.wait_dma2 semaphore(%run_scoped3A : memref<!tpu.dma_semaphore, #tpu.memory_space<semaphore_mem>>) src(%dma_wait3A_93 : memref<2000xi32, #tpu.memory_space<hbm>>) dst(%arg13 : memref<2000xi32, #tpu.memory_space<vmem>>)
          tpu.yield
        }) : () -> ()
        %dma_start3A_84 = arith.constant 0 : i32
        %dma_start3A_85 = arith.constant 0 : i32
        %dma_start3A_86 = tpu.memref_slice %arg2[%dma_start3A_84, %dma_start3A_85] : memref<50000x8xf32, #tpu.memory_space<hbm>> -> memref<50000x8xf32, #tpu.memory_space<hbm>>
        tpu.enqueue_indirect_dma source(%dma_start3A_86 : memref<50000x8xf32, #tpu.memory_space<hbm>>) target(%arg16 : memref<2000x8xf32, #tpu.memory_space<vmem>>) offsets(%arg12 : memref<2000xi32, #tpu.memory_space<vmem>>) semaphore(%arg21 : memref<!tpu.dma_semaphore, #tpu.memory_space<semaphore_mem>>)
        %dma_start3A_87 = arith.constant 0 : i32
        %dma_start3A_88 = arith.constant 0 : i32
        %dma_start3A_89 = tpu.memref_slice %arg2[%dma_start3A_87, %dma_start3A_88] : memref<50000x8xf32, #tpu.memory_space<hbm>> -> memref<50000x8xf32, #tpu.memory_space<hbm>>
        tpu.enqueue_indirect_dma source(%dma_start3A_89 : memref<50000x8xf32, #tpu.memory_space<hbm>>) target(%arg17 : memref<2000x8xf32, #tpu.memory_space<vmem>>) offsets(%arg13 : memref<2000xi32, #tpu.memory_space<vmem>>) semaphore(%arg21 : memref<!tpu.dma_semaphore, #tpu.memory_space<semaphore_mem>>)
      } else {
      }
      %dma_wait3A_64 = arith.constant 0 : i32
      %dma_wait3A_65 = arith.constant 0 : i32
      %dma_wait3A_66 = tpu.memref_slice %arg2[%dma_wait3A_64, %dma_wait3A_65] : memref<50000x8xf32, #tpu.memory_space<hbm>> -> memref<50000x8xf32, #tpu.memory_space<hbm>>
      tpu.wait_indirect_dma semaphore(%arg22 : memref<!tpu.dma_semaphore, #tpu.memory_space<semaphore_mem>>) src(%dma_wait3A_66 : memref<50000x8xf32, #tpu.memory_space<hbm>>) dst(%arg18 : memref<2000x8xf32, #tpu.memory_space<vmem>>)
      %dma_wait3A_67 = arith.constant 0 : i32
      %dma_wait3A_68 = arith.constant 0 : i32
      %dma_wait3A_69 = tpu.memref_slice %arg2[%dma_wait3A_67, %dma_wait3A_68] : memref<50000x8xf32, #tpu.memory_space<hbm>> -> memref<50000x8xf32, #tpu.memory_space<hbm>>
      tpu.wait_indirect_dma semaphore(%arg22 : memref<!tpu.dma_semaphore, #tpu.memory_space<semaphore_mem>>) src(%dma_wait3A_69 : memref<50000x8xf32, #tpu.memory_space<hbm>>) dst(%arg19 : memref<2000x8xf32, #tpu.memory_space<vmem>>)
      %scan3A_70 = arith.constant 0 : i32
      %scan3A_71 = arith.constant 125 : i32
      %scan3A_72 = arith.addi %scan3A_70, %scan3A_71 : i32
      %scan3A_73 = arith.constant 1 : i32
      %scan3A_74 = scf.for %scan3A_76 = %scan3A_70 to %scan3A_72 step %scan3A_73 iter_args(%scan3A_77 = %scan3A_58) -> (vector<16xf32>)  : i32 {
        %mul3A_78 = arith.constant 16 : i32
        %mul3A_79 = arith.muli %scan3A_76, %mul3A_78 : i32
        %add3A_80 = vector.broadcast %mul3A_79 : i32 to vector<16xi32>
        %add3A_81 = arith.addi %iota3A, %add3A_80 : vector<16xi32>
        %sub3A = arith.subi %iota3A, %iota3A : vector<16xi32>
        %add3A_82 = arith.constant 3 : i32
        %add3A_83 = vector.broadcast %add3A_82 : i32 to vector<16xi32>
        %add3A_84 = arith.addi %sub3A, %add3A_83 : vector<16xi32>
        %gather3A = tpu.vector_load_idx %arg18[%add3A_81, %add3A_84] : memref<2000x8xf32, #tpu.memory_space<vmem>>[vector<16xi32>, vector<16xi32>], vector<16xf32>,
        %convert_element_type3A_85 = arith.fptosi %gather3A : vector<16xf32> to vector<16xi32>
        %add3A_86 = arith.constant 3 : i32
        %add3A_87 = vector.broadcast %add3A_86 : i32 to vector<16xi32>
        %add3A_88 = arith.addi %sub3A, %add3A_87 : vector<16xi32>
        %gather3A_89 = tpu.vector_load_idx %arg19[%add3A_81, %add3A_88] : memref<2000x8xf32, #tpu.memory_space<vmem>>[vector<16xi32>, vector<16xi32>], vector<16xf32>,
        %convert_element_type3A_90 = arith.fptosi %gather3A_89 : vector<16xf32> to vector<16xi32>
        %mul3A_91 = arith.constant 32 : i32
        %mul3A_92 = vector.broadcast %mul3A_91 : i32 to vector<16xi32>
        %mul3A_93 = arith.muli %convert_element_type3A_85, %mul3A_92 : vector<16xi32>
        %add3A_94 = arith.addi %mul3A_93, %convert_element_type3A_90 : vector<16xi32>
        %gather3A_95 = tpu.vector_load_idx %arg9[%add3A_94] : memref<1024xf32, #tpu.memory_space<vmem>>[vector<16xi32>], vector<16xf32>,
        %gather3A_96 = tpu.vector_load_idx %arg10[%add3A_94] : memref<1024xf32, #tpu.memory_space<vmem>>[vector<16xi32>], vector<16xf32>,
        %gather3A_97 = tpu.vector_load_idx %arg18[%add3A_81, %sub3A] : memref<2000x8xf32, #tpu.memory_space<vmem>>[vector<16xi32>, vector<16xi32>], vector<16xf32>,
        %add3A_98 = arith.constant 1 : i32
        %add3A_99 = vector.broadcast %add3A_98 : i32 to vector<16xi32>
        %add3A_100 = arith.addi %sub3A, %add3A_99 : vector<16xi32>
        %gather3A_101 = tpu.vector_load_idx %arg18[%add3A_81, %add3A_100] : memref<2000x8xf32, #tpu.memory_space<vmem>>[vector<16xi32>, vector<16xi32>], vector<16xf32>,
        %add3A_102 = arith.constant 2 : i32
        %add3A_103 = vector.broadcast %add3A_102 : i32 to vector<16xi32>
        %add3A_104 = arith.addi %sub3A, %add3A_103 : vector<16xi32>
        %gather3A_105 = tpu.vector_load_idx %arg18[%add3A_81, %add3A_104] : memref<2000x8xf32, #tpu.memory_space<vmem>>[vector<16xi32>, vector<16xi32>], vector<16xf32>,
        %gather3A_106 = tpu.vector_load_idx %arg19[%add3A_81, %sub3A] : memref<2000x8xf32, #tpu.memory_space<vmem>>[vector<16xi32>, vector<16xi32>], vector<16xf32>,
        %add3A_107 = arith.constant 1 : i32
        %add3A_108 = vector.broadcast %add3A_107 : i32 to vector<16xi32>
        %add3A_109 = arith.addi %sub3A, %add3A_108 : vector<16xi32>
        %gather3A_110 = tpu.vector_load_idx %arg19[%add3A_81, %add3A_109] : memref<2000x8xf32, #tpu.memory_space<vmem>>[vector<16xi32>, vector<16xi32>], vector<16xf32>,
        %add3A_111 = arith.constant 2 : i32
        %add3A_112 = vector.broadcast %add3A_111 : i32 to vector<16xi32>
        %add3A_113 = arith.addi %sub3A, %add3A_112 : vector<16xi32>
        %gather3A_114 = tpu.vector_load_idx %arg19[%add3A_81, %add3A_113] : memref<2000x8xf32, #tpu.memory_space<vmem>>[vector<16xi32>, vector<16xi32>], vector<16xf32>,
        %sub3A_115 = arith.subf %gather3A_97, %gather3A_106 : vector<16xf32>
        %bitcast3A = vector.bitcast %sub3A_115 : vector<16xf32> to vector<16xi32>
        %add3A_116 = arith.constant 32767 : i32
        %add3A_117 = vector.broadcast %add3A_116 : i32 to vector<16xi32>
        %add3A_118 = arith.addi %bitcast3A, %add3A_117 : vector<16xi32>
        %shift_right_arithmetic3A = arith.constant 16 : i32
        %shift_right_arithmetic3A_119 = vector.broadcast %shift_right_arithmetic3A : i32 to vector<16xi32>
        %shift_right_arithmetic3A_120 = arith.shrsi %bitcast3A, %shift_right_arithmetic3A_119 : vector<16xi32>
        %and3A = arith.constant 1 : i32
        %and3A_121 = vector.broadcast %and3A : i32 to vector<16xi32>
        %and3A_122 = arith.andi %shift_right_arithmetic3A_120, %and3A_121 : vector<16xi32>
        %add3A_123 = arith.addi %add3A_118, %and3A_122 : vector<16xi32>
        %and3A_124 = arith.constant -65536 : i32
        %and3A_125 = vector.broadcast %and3A_124 : i32 to vector<16xi32>
        %and3A_126 = arith.andi %add3A_123, %and3A_125 : vector<16xi32>
        %bitcast3A_127 = vector.bitcast %and3A_126 : vector<16xi32> to vector<16xf32>
        %mul3A_128 = arith.mulf %bitcast3A_127, %get3A_3 : vector<16xf32>
        %gt3A = arith.constant 5.000000e-01 : f32
        %gt3A_129 = vector.broadcast %gt3A : f32 to vector<16xf32>
        %gt3A_130 = arith.cmpf ogt, %mul3A_128, %gt3A_129 : vector<16xf32>
        %jit3A = arith.constant 1.000000e+00 : f32
        %jit3A_131 = arith.constant 0.000000e+00 : f32
        %broadcast_in_dim3A_132 = vector.broadcast %jit3A : f32 to vector<16xf32>
        %broadcast_in_dim3A_133 = vector.broadcast %jit3A_131 : f32 to vector<16xf32>
        %select_n3A = arith.select %gt3A_130, %broadcast_in_dim3A_132, %broadcast_in_dim3A_133 : vector<16xi1>, vector<16xf32>
        %lt3A_134 = arith.constant -5.000000e-01 : f32
        %lt3A_135 = vector.broadcast %lt3A_134 : f32 to vector<16xf32>
        %lt3A_136 = arith.cmpf olt, %mul3A_128, %lt3A_135 : vector<16xf32>
        %jit3A_137 = arith.constant -1.000000e+00 : f32
        %jit3A_138 = arith.constant 0.000000e+00 : f32
        %broadcast_in_dim3A_139 = vector.broadcast %jit3A_137 : f32 to vector<16xf32>
        %broadcast_in_dim3A_140 = vector.broadcast %jit3A_138 : f32 to vector<16xf32>
        %select_n3A_141 = arith.select %lt3A_136, %broadcast_in_dim3A_139, %broadcast_in_dim3A_140 : vector<16xi1>, vector<16xf32>
        %add3A_142 = arith.addf %select_n3A, %select_n3A_141 : vector<16xf32>
        %sub3A_143 = arith.subf %mul3A_128, %add3A_142 : vector<16xf32>
        %bitcast3A_144 = vector.bitcast %sub3A_143 : vector<16xf32> to vector<16xi32>
        %add3A_145 = arith.constant 32767 : i32
        %add3A_146 = vector.broadcast %add3A_145 : i32 to vector<16xi32>
        %add3A_147 = arith.addi %bitcast3A_144, %add3A_146 : vector<16xi32>
        %shift_right_arithmetic3A_148 = arith.constant 16 : i32
        %shift_right_arithmetic3A_149 = vector.broadcast %shift_right_arithmetic3A_148 : i32 to vector<16xi32>
        %shift_right_arithmetic3A_150 = arith.shrsi %bitcast3A_144, %shift_right_arithmetic3A_149 : vector<16xi32>
        %and3A_151 = arith.constant 1 : i32
        %and3A_152 = vector.broadcast %and3A_151 : i32 to vector<16xi32>
        %and3A_153 = arith.andi %shift_right_arithmetic3A_150, %and3A_152 : vector<16xi32>
        %add3A_154 = arith.addi %add3A_147, %and3A_153 : vector<16xi32>
        %and3A_155 = arith.constant -65536 : i32
        %and3A_156 = vector.broadcast %and3A_155 : i32 to vector<16xi32>
        %and3A_157 = arith.andi %add3A_154, %and3A_156 : vector<16xi32>
        %bitcast3A_158 = vector.bitcast %and3A_157 : vector<16xi32> to vector<16xf32>
        %mul3A_159 = arith.mulf %bitcast3A_158, %get3A_9 : vector<16xf32>
        %sub3A_160 = arith.subf %gather3A_101, %gather3A_110 : vector<16xf32>
        %bitcast3A_161 = vector.bitcast %sub3A_160 : vector<16xf32> to vector<16xi32>
        %add3A_162 = arith.constant 32767 : i32
        %add3A_163 = vector.broadcast %add3A_162 : i32 to vector<16xi32>
        %add3A_164 = arith.addi %bitcast3A_161, %add3A_163 : vector<16xi32>
        %shift_right_arithmetic3A_165 = arith.constant 16 : i32
        %shift_right_arithmetic3A_166 = vector.broadcast %shift_right_arithmetic3A_165 : i32 to vector<16xi32>
        %shift_right_arithmetic3A_167 = arith.shrsi %bitcast3A_161, %shift_right_arithmetic3A_166 : vector<16xi32>
        %and3A_168 = arith.constant 1 : i32
        %and3A_169 = vector.broadcast %and3A_168 : i32 to vector<16xi32>
        %and3A_170 = arith.andi %shift_right_arithmetic3A_167, %and3A_169 : vector<16xi32>
        %add3A_171 = arith.addi %add3A_164, %and3A_170 : vector<16xi32>
        %and3A_172 = arith.constant -65536 : i32
        %and3A_173 = vector.broadcast %and3A_172 : i32 to vector<16xi32>
        %and3A_174 = arith.andi %add3A_171, %and3A_173 : vector<16xi32>
        %bitcast3A_175 = vector.bitcast %and3A_174 : vector<16xi32> to vector<16xf32>
        %mul3A_176 = arith.mulf %bitcast3A_175, %get3A_5 : vector<16xf32>
        %gt3A_177 = arith.constant 5.000000e-01 : f32
        %gt3A_178 = vector.broadcast %gt3A_177 : f32 to vector<16xf32>
        %gt3A_179 = arith.cmpf ogt, %mul3A_176, %gt3A_178 : vector<16xf32>
        %jit3A_180 = arith.constant 1.000000e+00 : f32
        %jit3A_181 = arith.constant 0.000000e+00 : f32
        %broadcast_in_dim3A_182 = vector.broadcast %jit3A_180 : f32 to vector<16xf32>
        %broadcast_in_dim3A_183 = vector.broadcast %jit3A_181 : f32 to vector<16xf32>
        %select_n3A_184 = arith.select %gt3A_179, %broadcast_in_dim3A_182, %broadcast_in_dim3A_183 : vector<16xi1>, vector<16xf32>
        %lt3A_185 = arith.constant -5.000000e-01 : f32
        %lt3A_186 = vector.broadcast %lt3A_185 : f32 to vector<16xf32>
        %lt3A_187 = arith.cmpf olt, %mul3A_176, %lt3A_186 : vector<16xf32>
        %jit3A_188 = arith.constant -1.000000e+00 : f32
        %jit3A_189 = arith.constant 0.000000e+00 : f32
        %broadcast_in_dim3A_190 = vector.broadcast %jit3A_188 : f32 to vector<16xf32>
        %broadcast_in_dim3A_191 = vector.broadcast %jit3A_189 : f32 to vector<16xf32>
        %select_n3A_192 = arith.select %lt3A_187, %broadcast_in_dim3A_190, %broadcast_in_dim3A_191 : vector<16xi1>, vector<16xf32>
        %add3A_193 = arith.addf %select_n3A_184, %select_n3A_192 : vector<16xf32>
        %sub3A_194 = arith.subf %mul3A_176, %add3A_193 : vector<16xf32>
        %bitcast3A_195 = vector.bitcast %sub3A_194 : vector<16xf32> to vector<16xi32>
        %add3A_196 = arith.constant 32767 : i32
        %add3A_197 = vector.broadcast %add3A_196 : i32 to vector<16xi32>
        %add3A_198 = arith.addi %bitcast3A_195, %add3A_197 : vector<16xi32>
        %shift_right_arithmetic3A_199 = arith.constant 16 : i32
        %shift_right_arithmetic3A_200 = vector.broadcast %shift_right_arithmetic3A_199 : i32 to vector<16xi32>
        %shift_right_arithmetic3A_201 = arith.shrsi %bitcast3A_195, %shift_right_arithmetic3A_200 : vector<16xi32>
        %and3A_202 = arith.constant 1 : i32
        %and3A_203 = vector.broadcast %and3A_202 : i32 to vector<16xi32>
        %and3A_204 = arith.andi %shift_right_arithmetic3A_201, %and3A_203 : vector<16xi32>
        %add3A_205 = arith.addi %add3A_198, %and3A_204 : vector<16xi32>
        %and3A_206 = arith.constant -65536 : i32
        %and3A_207 = vector.broadcast %and3A_206 : i32 to vector<16xi32>
        %and3A_208 = arith.andi %add3A_205, %and3A_207 : vector<16xi32>
        %bitcast3A_209 = vector.bitcast %and3A_208 : vector<16xi32> to vector<16xf32>
        %mul3A_210 = arith.mulf %bitcast3A_209, %get3A_11 : vector<16xf32>
        %sub3A_211 = arith.subf %gather3A_105, %gather3A_114 : vector<16xf32>
        %bitcast3A_212 = vector.bitcast %sub3A_211 : vector<16xf32> to vector<16xi32>
        %add3A_213 = arith.constant 32767 : i32
        %add3A_214 = vector.broadcast %add3A_213 : i32 to vector<16xi32>
        %add3A_215 = arith.addi %bitcast3A_212, %add3A_214 : vector<16xi32>
        %shift_right_arithmetic3A_216 = arith.constant 16 : i32
        %shift_right_arithmetic3A_217 = vector.broadcast %shift_right_arithmetic3A_216 : i32 to vector<16xi32>
        %shift_right_arithmetic3A_218 = arith.shrsi %bitcast3A_212, %shift_right_arithmetic3A_217 : vector<16xi32>
        %and3A_219 = arith.constant 1 : i32
        %and3A_220 = vector.broadcast %and3A_219 : i32 to vector<16xi32>
        %and3A_221 = arith.andi %shift_right_arithmetic3A_218, %and3A_220 : vector<16xi32>
        %add3A_222 = arith.addi %add3A_215, %and3A_221 : vector<16xi32>
        %and3A_223 = arith.constant -65536 : i32
        %and3A_224 = vector.broadcast %and3A_223 : i32 to vector<16xi32>
        %and3A_225 = arith.andi %add3A_222, %and3A_224 : vector<16xi32>
        %bitcast3A_226 = vector.bitcast %and3A_225 : vector<16xi32> to vector<16xf32>
        %mul3A_227 = arith.mulf %bitcast3A_226, %get3A_7 : vector<16xf32>
        %gt3A_228 = arith.constant 5.000000e-01 : f32
        %gt3A_229 = vector.broadcast %gt3A_228 : f32 to vector<16xf32>
        %gt3A_230 = arith.cmpf ogt, %mul3A_227, %gt3A_229 : vector<16xf32>
        %jit3A_231 = arith.constant 1.000000e+00 : f32
        %jit3A_232 = arith.constant 0.000000e+00 : f32
        %broadcast_in_dim3A_233 = vector.broadcast %jit3A_231 : f32 to vector<16xf32>
        %broadcast_in_dim3A_234 = vector.broadcast %jit3A_232 : f32 to vector<16xf32>
        %select_n3A_235 = arith.select %gt3A_230, %broadcast_in_dim3A_233, %broadcast_in_dim3A_234 : vector<16xi1>, vector<16xf32>
        %lt3A_236 = arith.constant -5.000000e-01 : f32
        %lt3A_237 = vector.broadcast %lt3A_236 : f32 to vector<16xf32>
        %lt3A_238 = arith.cmpf olt, %mul3A_227, %lt3A_237 : vector<16xf32>
        %jit3A_239 = arith.constant -1.000000e+00 : f32
        %jit3A_240 = arith.constant 0.000000e+00 : f32
        %broadcast_in_dim3A_241 = vector.broadcast %jit3A_239 : f32 to vector<16xf32>
        %broadcast_in_dim3A_242 = vector.broadcast %jit3A_240 : f32 to vector<16xf32>
        %select_n3A_243 = arith.select %lt3A_238, %broadcast_in_dim3A_241, %broadcast_in_dim3A_242 : vector<16xi1>, vector<16xf32>
        %add3A_244 = arith.addf %select_n3A_235, %select_n3A_243 : vector<16xf32>
        %sub3A_245 = arith.subf %mul3A_227, %add3A_244 : vector<16xf32>
        %bitcast3A_246 = vector.bitcast %sub3A_245 : vector<16xf32> to vector<16xi32>
        %add3A_247 = arith.constant 32767 : i32
        %add3A_248 = vector.broadcast %add3A_247 : i32 to vector<16xi32>
        %add3A_249 = arith.addi %bitcast3A_246, %add3A_248 : vector<16xi32>
        %shift_right_arithmetic3A_250 = arith.constant 16 : i32
        %shift_right_arithmetic3A_251 = vector.broadcast %shift_right_arithmetic3A_250 : i32 to vector<16xi32>
        %shift_right_arithmetic3A_252 = arith.shrsi %bitcast3A_246, %shift_right_arithmetic3A_251 : vector<16xi32>
        %and3A_253 = arith.constant 1 : i32
        %and3A_254 = vector.broadcast %and3A_253 : i32 to vector<16xi32>
        %and3A_255 = arith.andi %shift_right_arithmetic3A_252, %and3A_254 : vector<16xi32>
        %add3A_256 = arith.addi %add3A_249, %and3A_255 : vector<16xi32>
        %and3A_257 = arith.constant -65536 : i32
        %and3A_258 = vector.broadcast %and3A_257 : i32 to vector<16xi32>
        %and3A_259 = arith.andi %add3A_256, %and3A_258 : vector<16xi32>
        %bitcast3A_260 = vector.bitcast %and3A_259 : vector<16xi32> to vector<16xf32>
        %mul3A_261 = arith.mulf %bitcast3A_260, %get3A_13 : vector<16xf32>
        %mul3A_262 = arith.mulf %mul3A_159, %mul3A_159 : vector<16xf32>
        %mul3A_263 = arith.mulf %mul3A_210, %mul3A_210 : vector<16xf32>
        %add3A_264 = arith.addf %mul3A_262, %mul3A_263 : vector<16xf32>
        %mul3A_265 = arith.mulf %mul3A_261, %mul3A_261 : vector<16xf32>
        %add3A_266 = arith.addf %add3A_264, %mul3A_265 : vector<16xf32>
        %max3A = arith.constant 9.99999997E-7 : f32
        %max3A_267 = vector.broadcast %max3A : f32 to vector<16xf32>
        %max3A_268 = arith.maximumf %add3A_266, %max3A_267 : vector<16xf32>
        %mul3A_269 = arith.mulf %gather3A_95, %gather3A_95 : vector<16xf32>
        %div3A = arith.divf %mul3A_269, %max3A_268 : vector<16xf32>
        %mul3A_270 = arith.mulf %div3A, %div3A : vector<16xf32>
        %mul3A_271 = arith.mulf %mul3A_270, %div3A : vector<16xf32>
        %mul3A_272 = arith.constant 4.000000e+00 : f32
        %mul3A_273 = vector.broadcast %mul3A_272 : f32 to vector<16xf32>
        %mul3A_274 = arith.mulf %mul3A_273, %gather3A_96 : vector<16xf32>
        %mul3A_275 = arith.mulf %mul3A_274, %mul3A_271 : vector<16xf32>
        %sub3A_276 = arith.constant 1.000000e+00 : f32
        %sub3A_277 = vector.broadcast %sub3A_276 : f32 to vector<16xf32>
        %sub3A_278 = arith.subf %mul3A_271, %sub3A_277 : vector<16xf32>
        %mul3A_279 = arith.mulf %mul3A_275, %sub3A_278 : vector<16xf32>
        %lt3A_280 = arith.cmpf olt, %max3A_268, %get3A_15 : vector<16xf32>
        %broadcast_in_dim3A_281 = arith.constant 0.000000e+00 : f32
        %broadcast_in_dim3A_282 = vector.broadcast %broadcast_in_dim3A_281 : f32 to vector<16xf32>
        %select_n3A_283 = arith.select %lt3A_280, %mul3A_279, %broadcast_in_dim3A_282 : vector<16xi1>, vector<16xf32>
        %add3A_284 = arith.addf %scan3A_77, %select_n3A_283 : vector<16xf32>
        scf.yield %add3A_284 : vector<16xf32>
      }
      %scan3A_75 = arith.constant 125 : i32
      scf.yield %scan3A_74 : vector<16xf32>
    }
    %scan3A_31 = arith.constant 25 : i32
    %swap3A = arith.constant 0 : index
    %swap3A_32 = tpu.vector_load %arg20[%swap3A] {strides = array<i32>} : memref<16xf32, #tpu.memory_space<vmem>>, vector<16xf32>,
    tpu.vector_store %arg20[%swap3A], %scan3A_30 {strides = array<i32>} : memref<16xf32, #tpu.memory_space<vmem>>, vector<16xf32>,
    "tpu.region"() ({
      %run_scoped3A = tpu.sem_alloc : memref<!tpu.dma_semaphore, #tpu.memory_space<semaphore_mem>>
      %dma_start3A_33 = arith.constant 0 : i32
      %dma_start3A_34 = tpu.memref_slice %arg8[%add3A, %dma_start3A_33] : memref<32x16xf32, #tpu.memory_space<hbm>> -> memref<1x16xf32, #tpu.memory_space<hbm>>
      %dma_start3A_35 = tpu.memref_squeeze %dma_start3A_34 : memref<1x16xf32, #tpu.memory_space<hbm>> -> memref<16xf32, #tpu.memory_space<hbm>>
      %dma_start3A_36 = arith.constant 0 : i32
      %dma_start3A_37 = tpu.memref_slice %arg8[%add3A, %dma_start3A_36] : memref<32x16xf32, #tpu.memory_space<hbm>> -> memref<1x16xf32, #tpu.memory_space<hbm>>
      %dma_start3A_38 = tpu.memref_squeeze %dma_start3A_37 : memref<1x16xf32, #tpu.memory_space<hbm>> -> memref<16xf32, #tpu.memory_space<hbm>>
      tpu.enqueue_dma source(%arg20 : memref<16xf32, #tpu.memory_space<vmem>>) target(%dma_start3A_38 : memref<16xf32, #tpu.memory_space<hbm>>) target_semaphore(%run_scoped3A : memref<!tpu.dma_semaphore, #tpu.memory_space<semaphore_mem>>)
      %dma_wait3A = arith.constant 0 : i32
      %dma_wait3A_39 = tpu.memref_slice %arg8[%add3A, %dma_wait3A] : memref<32x16xf32, #tpu.memory_space<hbm>> -> memref<1x16xf32, #tpu.memory_space<hbm>>
      %dma_wait3A_40 = tpu.memref_squeeze %dma_wait3A_39 : memref<1x16xf32, #tpu.memory_space<hbm>> -> memref<16xf32, #tpu.memory_space<hbm>>
      %dma_wait3A_41 = arith.constant 0 : i32
      %dma_wait3A_42 = tpu.memref_slice %arg8[%add3A, %dma_wait3A_41] : memref<32x16xf32, #tpu.memory_space<hbm>> -> memref<1x16xf32, #tpu.memory_space<hbm>>
      %dma_wait3A_43 = tpu.memref_squeeze %dma_wait3A_42 : memref<1x16xf32, #tpu.memory_space<hbm>> -> memref<16xf32, #tpu.memory_space<hbm>>
      tpu.wait_dma2 semaphore(%run_scoped3A : memref<!tpu.dma_semaphore, #tpu.memory_space<semaphore_mem>>) src(%arg20 : memref<16xf32, #tpu.memory_space<vmem>>) dst(%dma_wait3A_43 : memref<16xf32, #tpu.memory_space<hbm>>)
      tpu.yield
    }) : () -> ()
    return
  }
}

module attributes {stable_mosaic.version = 14 : i64} {
  func.func @_tc_sum(%arg0: memref<32x16xf32, #tpu.memory_space<vmem>>, %arg1: memref<1x1xf32, #tpu.memory_space<smem>>) attributes {dimension_semantics = [], scalar_prefetch = 0 : i64, scratch_operands = 0 : i64, tpu.core_type = #tpu.core_type<tc>} {
    %get3A = arith.constant 0 : index
    %get3A_0 = arith.constant 0 : index
    %get3A_1 = vector.load %arg0[%get3A, %get3A_0] : memref<32x16xf32, #tpu.memory_space<vmem>>, vector<32x16xf32>
    %reduce_sum3A = vector.shape_cast %get3A_1 : vector<32x16xf32> to vector<1x32x16xf32>
    %reduce_sum3A_2 = arith.constant dense<0.000000e+00> : vector<1xf32>
    %reduce_sum3A_3 = vector.multi_reduction <add>, %reduce_sum3A, %reduce_sum3A_2 [1, 2] : vector<1x32x16xf32> to vector<1xf32>
    %reduce_sum3A_4 = vector.shape_cast %reduce_sum3A_3 : vector<1xf32> to vector<1x1x1xf32>
    %reduce_sum3A_5 = vector.extract %reduce_sum3A_4[0, 0, 0] : f32 from vector<1x1x1xf32>
    %swap3A = arith.constant 0 : index
    %swap3A_6 = arith.constant 0 : index
    %swap3A_7 = memref.load %arg1[%swap3A, %swap3A_6] : memref<1x1xf32, #tpu.memory_space<smem>>
    memref.store %reduce_sum3A_5, %arg1[%swap3A, %swap3A_6] : memref<1x1xf32, #tpu.memory_space<smem>>
    return
  }
}

</mosaic_0001>

<sc_bundles>
// kernel: kernel.4.cloned.1.call-start
scs
__scs_entry_jumppad:
0x0: {  	(pc) =	sbr.rel $0x88, $3  }
0x1: {  	(tag) =	ssettag $0x0;
	lr =	simm.s32 $0x1  }
0x2: {  	[smem:$0x3F9A] =	sst lr;
	_ =	strace $0xD0000000  }
0x3: {  	_ = 	snop  }
0x4: {  	_ = 	snop  }
0x5: {  	_ = 	snop  }
0x6: {  	_ = 	snop  }
0x7: {  	_ = 	snop  }
__scs_overlays_trampoline_lowered:
0x8: {  	[smem:$0x3FA9] =	sst s0  }
0x9: {  	[smem:$0x3FAA] =	sst s1  }
0xa: {  	[smem:$0x3FAB] =	sst s2  }
0xb: {  	[smem:$0x3FAC] =	sst s3  }
0xc: {  	[smem:$0x3FAD] =	sst s4  }
0xd: {  	[smem:$0x3FAE] =	sst s5  }
0xe: {  	[smem:$0x3FAF] =	sst s6  }
0xf: {  	[smem:$0x3FB0] =	sst s7  }
0x10: {  	[smem:$0x3FB1] =	sst s8  }
0x11: {  	[smem:$0x3FB2] =	sst s9;
	s0 =	simm.s32 @!p0 $0x0  }
0x12: {  	s1 =	sld [smem:$0x3F98];
	s0 =	simm.s32 @p0 $0x1  }
0x13: {  	[smem:$0x3FB3] =	sst s0;
	s0 =	simm.s32 @!p1 $0x0  }
0x14: {  	s2 =	sld [smem:$0x3F97];
	s0 =	simm.s32 @p1 $0x1  }
0x15: {  	[smem:$0x3FB4] =	sst s0;
	s0 =	simm.s32 @!p2 $0x0  }
0x16: {  	s3 =	sld [smem:$0x3FDB];
	s0 =	simm.s32 @p2 $0x1  }
0x17: {  	s4 =	simm.s32 $0x1BF5;
	[smem:$0x3FB6] =	sst s0  }
0x18: {  	s0 =	sld [smem:$0x3F99];
	_ =	swait.ge [sflag:s4], $0x0  }
0x19: {  	s7 =	sld [smem:$0x3F9A]  }
0x1a: {  	s8 =	sadd.s32 $0xFFFFE003, lr  }
0x1b: {  	s9 =	sadd.s32 $0xFFFFFEF7, lr;
	s5 =	simm.s32 $0xFFFFFFFF;
	p2 =	slt.u32 s8, $0xFFFFF086  }
0x1c: {  	p1 =	slt.u32 s9, $0xF7A;
	s5 =	simm.s32 @!p2 $0x0  }
0x1d: {  	s5 =	simm.s32 @p1 $0x1;
	p0 =	seq.s32 s7, s2  }
0x1e: {  	s7 =	smul.u32 @!p0 $0xF7A, s2;
	p2 =	seq.s32 @!p0 s5, $0x0  }
0x1f: {  	s9 =	smul.u32 $0xF7A, s1;
	s8 =	simm.s32 @!p0 $0x1BF5;
	p2 =	por !p2, p0  }
0x20: {  	[sflag:s8] =	ssyncset.s32 @!p0 $0xFFFFF086;
	s6 =	sadd.s32 @!p0 s3, s7;
	s7 =	simm.s32 @!p0 $0x108  }
0x21: {  	s3 =	sadd.s32 s3, s9;
	s6 =	sadd.s32 @!p0 $0x88, s6;
	s7 =	simm.s32 @p2 $0x1082  }
0x22: {  	[simem:s7], [sflag:s8] =	dma.local @!p0 [hbm:s6], $0xF7A  }
0x23: {  	s9 =	sor.u32 $0xD0000000, s2;
	s6 =	simm.s32 $0x108;
	_ =	swait.ge @!p0 [sflag:s8], $0x0  }
0x24: {  	s3 =	sadd.s32 $0x88, s3;
	s6 =	simm.s32 @!p1 $0x1082;
	[sflag:s4] =	ssyncset.s32 $0xFFFFF086  }
0x25: {  	[simem:s6], [sflag:s4] =	dma.local [hbm:s3], $0xF7A  }
0x26: {  	[smem:$0x3F9A] =	sst s1;
	(tag) =	ssettag s2;
	_ =	strace s9  }
0x27: {  	s1 =	sld [smem:$0x3FAA]  }
0x28: {  	s2 =	sld [smem:$0x3FAB]  }
0x29: {  	s4 =	sld [smem:$0x3FAD]  }
0x2a: {  	p0 =	seq.s32 s5, $0x0;
	s5 =	sld [smem:$0x3FAE]  }
0x2b: {  	s6 =	sld [smem:$0x3FAF]  }
0x2c: {  	s7 =	sld [smem:$0x3FB0]  }
0x2d: {  	s3 =	simm.s32 $0x108;
	s8 =	sld [smem:$0x3FB1]  }
0x2e: {  	s3 =	simm.s32 @!p0 $0x1082;
	s9 =	sld [smem:$0x3FB2]  }
0x2f: {  	lr =	sadd.s32 s0, s3;
	s0 =	sld [smem:$0x3FA9]  }
0x30: {  	s3 =	sld [smem:$0x3FAC]  }
0x31: {  	[smem:$0x3FB5] =	sst s10  }
0x32: {  	s10 =	sld [smem:$0x3FB3];
	_ =	sdelay $0x3  }
0x33: {  	p0 =	seq.s32 s10, $0x1;
	s10 =	sld [smem:$0x3FB5];
	_ =	sdelay $0x3  }
0x34: {  	[smem:$0x3FB5] =	sst s10  }
0x35: {  	s10 =	sld [smem:$0x3FB4];
	_ =	sdelay $0x3  }
0x36: {  	p1 =	seq.s32 s10, $0x1;
	s10 =	sld [smem:$0x3FB5];
	_ =	sdelay $0x3  }
0x37: {  	[smem:$0x3FB5] =	sst s10  }
0x38: {  	s10 =	sld [smem:$0x3FB6]  }
0x39: {  	_ = 	snop;
	(pc) =	sbr.ind lr, $3  }
0x3a: {  	_ = 	snop  }
0x3b: {  	_ = 	snop  }
0x3c: {  	p2 =	seq.s32 s10, $0x1;
	s10 =	sld [smem:$0x3FB5]  }
0x3d: {  	_ =	shalt  }
0x3e: {  	_ =	shalt  }
0x3f: {  	_ =	shalt  }
0x40: {  	_ =	shalt  }
0x41: {  	_ =	shalt  }
0x42: {  	_ =	shalt  }
0x43: {  	_ =	shalt  }
0x44: {  	_ =	shalt  }
0x45: {  	_ =	shalt  }
0x46: {  	_ =	shalt  }
0x47: {  	_ =	shalt  }
0x48: {  	_ =	shalt  }
0x49: {  	_ =	shalt  }
0x4a: {  	_ =	shalt  }
0x4b: {  	_ =	shalt  }
0x4c: {  	_ =	shalt  }
0x4d: {  	_ =	shalt  }
0x4e: {  	_ =	shalt  }
0x4f: {  	_ =	shalt  }
0x50: {  	_ =	shalt  }
0x51: {  	_ =	shalt  }
0x52: {  	_ =	shalt  }
0x53: {  	_ =	shalt  }
0x54: {  	_ =	shalt  }
0x55: {  	_ =	shalt  }
0x56: {  	_ =	shalt  }
0x57: {  	_ =	shalt  }
0x58: {  	_ =	shalt  }
0x59: {  	_ =	shalt  }
0x5a: {  	_ =	shalt  }
0x5b: {  	_ =	shalt  }
0x5c: {  	_ =	shalt  }
0x5d: {  	_ =	shalt  }
0x5e: {  	_ =	shalt  }
0x5f: {  	_ =	shalt  }
0x60: {  	_ =	shalt  }
0x61: {  	_ =	shalt  }
0x62: {  	_ =	shalt  }
0x63: {  	_ =	shalt  }
0x64: {  	_ =	shalt  }
0x65: {  	_ =	shalt  }
0x66: {  	_ =	shalt  }
0x67: {  	_ =	shalt  }
0x68: {  	_ =	shalt  }
0x69: {  	_ =	shalt  }
0x6a: {  	_ =	shalt  }
0x6b: {  	_ =	shalt  }
0x6c: {  	_ =	shalt  }
0x6d: {  	_ =	shalt  }
0x6e: {  	_ =	shalt  }
0x6f: {  	_ =	shalt  }
0x70: {  	_ =	shalt  }
0x71: {  	_ =	shalt  }
0x72: {  	_ =	shalt  }
0x73: {  	_ =	shalt  }
0x74: {  	_ =	shalt  }
0x75: {  	_ =	shalt  }
0x76: {  	_ =	shalt  }
0x77: {  	_ =	shalt  }
0x78: {  	_ =	shalt  }
0x79: {  	_ =	shalt  }
0x7a: {  	_ =	shalt  }
0x7b: {  	_ =	shalt  }
0x7c: {  	_ =	shalt  }
0x7d: {  	_ =	shalt  }
0x7e: {  	_ =	shalt  }
0x7f: {  	_ =	shalt  }
0x80: {  	_ =	shalt  }
0x81: {  	_ =	shalt  }
0x82: {  	_ =	shalt  }
0x83: {  	_ =	shalt  }
0x84: {  	_ =	shalt  }
0x85: {  	_ =	shalt  }
0x86: {  	_ =	shalt  }
0x87: {  	_ =	shalt  }
.Lfunc_end0:
.L_simem_size_0:
called_computation_lowered:
.L_overlay_start_0:
0x88: {  	s2 =	sld [smem:$0x3FD9]  }
0x89: {  	s3 =	sld [smem:$0x3FFE];
	_ =	sdelay $0x1  }
0x8a: {  	s1 =	srdreg.scid  }
0x8b: {  	s0 =	sand.u32 $0x1, s1  }
0x8c: {  	s17 =	sshll.u32 s0, $0xA;
	s2 =	sadd.s32 s3, s2  }
0x8d: {  	s2 =	sadd.s32 s2, s17  }
0x8e: {  	[smem:$0x3FC1] =	sst s2  }
0x8f: {  	_ = 	snop  }
0x90: {  	s2 =	sld [smem:$0x3FD0];
	(tm) =	ssettm $0x1  }
0x91: {  	s18 =	sld [smem:$0x3FFB];
	_ =	sdelay $0x3  }
0x92: {  	_ =	strace s18  }
0x93: {  	s3 =	sld [smem:$0x3FFC];
	_ =	sdelay $0x3  }
0x94: {  	_ =	strace s3  }
0x95: {  	s3 =	sld [smem:$0x3FFD];
	_ =	sdelay $0x3  }
0x96: {  	_ =	strace s3  }
0x97: {  	_ =	strace $0x8FFFFFFF  }
0x98: {  	s19 =	sld [smem:$0x3FDB];
	_ =	sdelay $0x1  }
0x99: {  	s4 =	simm.s32 $_scs_section_size  }
0x9a: {  	s5 =	simm.s32 $_size__tile_overlayer_lowered;
	s6 =	simm.s32 $_tile_overlayer_lowered  }
0x9b: {  	s22 =	simm.s32 $0x1BFF;
	s21 =	sshll.u32 s6, $0x1;
	s3 =	sadd.s32 s4, s19  }
0x9c: {  	s7 =	simm.s32 $0x0;
	s20 =	sshll.u32 s5, $0x1;
	s5 =	sadd.s32 s21, s3  }
0x9d: {  	[timem:s7], [sflag:s22] =	dma.local [hbm:s5], s20  }
0x9e: {  	_ =	swait.ge [sflag:s22], s20  }
0x9f: {  	s4 =	ssub.s32 $0x0, s20;
	[sflag:s22] =	ssyncset.done $0x0  }
0xa0: {  	[sflag:s22] =	ssyncadd.s32 s4;
	_ =	sdelay $0x1  }
0xa1: {  	s23 =	simm.s32 $0x1B8B  }
0xa2: {  	_ =	swait.ge [sflag:s23], $0x1  }
0xa3: {  	[sflag:s23] =	ssyncset.done $0x0  }
0xa4: {  	s25 =	simm.s32 $0x1B8E;
	s24 =	sld [smem:$0x3FFE];
	[sflag:s23] =	ssyncadd.s32 $0xFFFFFFFF  }
0xa5: {  	s26 =	simm.s32 $execute0_lowered;
	[smem:$0x3FD2] =	sst s25  }
0xa6: {  	s5 =	sshll.u32 s26, $0x1;
	_ =	strace $0x80000046;
	[dreg:$0x1] =	wrdreg $0xFFFFFFFF  }
0xa7: {  	s28 =	simm.s32 $_size_execute0_lowered;
	s3 =	sadd.s32 s3, s5;
	[dreg:$0x0] =	wrdreg $0x0  }
0xa8: {  	s5 =	sshll.u32 s28, $0x1;
	[dreg:$0x2] =	wrdreg s3  }
0xa9: {  	[dreg:$0x3] =	wrdreg s5  }
0xaa: {  	[dreg:$0x4] =	wrdreg $0xC0  }
0xab: {  	_ =	task [dreg:s7], $0x5FFFF  }
0xac: {  	[dreg:$0x1] =	wrdreg $0xFFFFFFFF  }
0xad: {  	[dreg:$0x0] =	wrdreg $0x60  }
0xae: {  	[dreg:$0x2] =	wrdreg s24  }
0xaf: {  	[dreg:$0x3] =	wrdreg s2  }
0xb0: {  	[dreg:$0x4] =	wrdreg $0x9  }
0xb1: {  	_ =	task.clear_ibuf [dreg:s7], $0x5FFFF;
	_ =	strace $0x90000046  }
0xb2: {  	s29 =	simm.s32 $0x9;
	_ =	strace $0x80000048  }
0xb3: {  	_ =	swait.ge [sflag:s29], $0x1  }
0xb4: {  	[sflag:s29] =	ssyncadd.s32 $0xFFFFFFFF  }
0xb5: {  	_ =	strace $0x90000048  }
0xb6: {  	_ =	sfence  }
0xb7: {  	s30 =	sld [smem:$0x0];
	_ =	sdelay $0x2  }
0xb8: {  	s31 =	sshll.u32 s1, $0xD;
	s1 =	sshrl.u32 s1, $0x2  }
0xb9: {  	s3 =	sand.u32 $0x4000, s31;
	s1 =	sadd.s32 s1, s30  }
0xba: {  	s0 =	sor.u32 s3, s0;
	s1 =	sshll.u32 s1, $0x11  }
0xbb: {  	s0 =	sor.u32 s1, s0  }
0xbc: {  	s0 =	sadd.s32 $0x8F2B, s0  }
0xbd: {  	[sflag:s0] =	ssyncadd.remote.s32 $0x1  }
0xbe: {  	_ =	sfence.sel $0xFFFF  }
0xbf: {  	[dreg:$0x0] =	wrdreg $0xFFFFFFFF;
	(pc) =	sbr.abs _section_cstart, $3  }
0xc0: {  	[dreg:$0x1] =	wrdreg $0xFFFFFFFF  }
0xc1: {  	_ =	task.clear_ibuf [dreg:s7], $0x2FFFF;
	_ =	strace $0x9FFFFFFF  }
0xc2: {  	(tm) =	ssettm $0x7FFFFFFF  }
0xc3: {  	_ =	shalt  }
tec
execute0_lowered:
.L_overlay_start_1:
0x0: {  	(tag) =	ssettag $0x1  }
0x1: {  	s0 =	rddreg [dreg:$0x0];
	s3 =	simm.s32 $0x0;
	s1 =	srdreg.scid  }
0x2: {  	s2 =	stileid.u32;
	s15 =	simm.s32 $0x3;
	s16 =	simm.s32 $0x400  }
0x3: {  	s18 =	simm.s32 $0x870;
	s19 =	simm.s32 $0x1040;
	s20 =	simm.s32 $0x7D0  }
0x4: {  	s21 =	simm.s32 $0x27B0;
	s22 =	simm.s32 $0x6630;
	s23 =	simm.s32 $0x1810  }
0x5: {  	s24 =	simm.s32 $0x1FE0;
	s25 =	simm.s32 $0xA4B0;
	s26 =	simm.s32 $0xE330  }
0x6: {  	s28 =	simm.s32 $0x1;
	s29 =	simm.s32 $0x2;
	s31 =	simm.s32 $0x0  }
0x7: {  	[smem:$0x7FF] =	sst s3;
	s1 =	sand.u32 $0x1, s1;
	s2 =	sshll.u32 s2, $0x1  }
0x8: {  	s4 =	sadd.s32 $0xE00, s0;
	s5 =	sadd.s32 $0x6EE00, s0;
	s6 =	sadd.s32 $0xD200, s0  }
0x9: {  	s7 =	sadd.s32 $0xA00, s0;
	s8 =	sadd.s32 $0xC00, s0;
	s2 =	sor.u32 s1, s2  }
0xa: {  	_ =	strace $0x80000047;
	s1 =	ssub.s32 $0x2, s1;
	s12 =	smul.u32 $0x186A0, s2  }
0xb: {  	[dreg:$0x3] =	wrdreg s7;
	s2 =	sshll.u32 s2, $0x1;
	s9 =	sshrl.u32 s1, $0x1  }
0xc: {  	s0 =	sadd.s32 s2, s0;
	s1 =	ssub.s32 s1, s9;
	s10 =	sshrl.u32 s12, $0x3  }
0xd: {  	v0 =	vlaneseq.u32;
	s11 =	sadd.s32 $0x7D0, s12;
	s12 =	sadd.s32 $0xFA0, s12;
	s13 =	sadd.s32 $0xD0A00, s0  }
0xe: {  	v1 =	vimm.f32 $0.0e+00;
	v0 =	vmul.u32 $0x8, v0;
	s14 =	smax.u32 s1, $0x1;
	s9 =	sadd.s32 s5, s10;
	s10 =	sadd.s32 s6, s10  }
.LBB2_1:
0xf: {  	s0 =	rddreg [dreg:$0x3]  }
0x10: {  	[tilespmem:s3], [sflag:$0x3] =	stream.linear.gather [hbm4b:s0+s3], $0x400, $0x38;
	[tilespmem:$0x121C0] =	vst v63  }
0x11: {  	_ =	swait.ge [sflag:s15], $0x400  }
0x12: {  	[sflag:s15] =	ssyncset.done $0x0  }
0x13: {  	[sflag:s15] =	ssyncadd.s32 $0xFFFFFC00  }
0x14: {  	[tilespmem:s16], [sflag:$0x3] =	stream.linear.gather [hbm4b:s8+s3], $0x400, $0x38;
	[tilespmem:$0x121C0] =	vst v63  }
0x15: {  	_ =	swait.ge [sflag:s15], $0x400  }
0x16: {  	[sflag:s15] =	ssyncset.done $0x0  }
0x17: {  	[sflag:s15] =	ssyncadd.s32 $0xFFFFFC00  }
0x18: {  	s1 =	simm.s32 $0x800;
	s30 =	rddreg [dreg:$0x1]  }
0x19: {  	[tilespmem:s1], [sflag:$0x3] =	stream.linear.gather [hbm4b:s30+s3], $0x70, $0x38;
	[tilespmem:$0x121C0] =	vst v63  }
0x1a: {  	_ =	swait.ge [sflag:s15], $0x70  }
0x1b: {  	[sflag:s15] =	ssyncset.done $0x0  }
0x1c: {  	[sflag:s15] =	ssyncadd.s32 $0xFFFFFF90  }
0x1d: {  	v2 =	vld [tilespmem:$0x800]  }
0x1e: {  	v3 =	vld [tilespmem:$0x810]  }
0x1f: {  	v4 =	vld [tilespmem:$0x820]  }
0x20: {  	v5 =	vld [tilespmem:$0x830]  }
0x21: {  	v6 =	vld [tilespmem:$0x840]  }
0x22: {  	v7 =	vld [tilespmem:$0x850]  }
0x23: {  	v8 =	vld [tilespmem:$0x860];
	[tilespmem:s18], [sflag:$0x3] =	stream.linear.gather [hbm4b:s9+s3], $0x7D0, $0x38  }
0x24: {  	_ =	swait.ge [sflag:s15], $0x7D0  }
0x25: {  	[sflag:s15] =	ssyncset.done $0x0  }
0x26: {  	[sflag:s15] =	ssyncadd.s32 $0xFFFFF830  }
0x27: {  	[tilespmem:s19], [sflag:$0x3] =	stream.linear.gather [hbm4b:s10+s3], $0x7D0, $0x38;
	[tilespmem:$0x121C0] =	vst v63  }
0x28: {  	_ =	swait.ge [sflag:s15], $0x7D0  }
0x29: {  	[sflag:s15] =	ssyncset.done $0x0  }
0x2a: {  	[sflag:s15] =	ssyncadd.s32 $0xFFFFF830  }
0x2b: {  	[tilespmem:s21], [sflag:$0x1] =	stream.indirect.gather [hbm4b:s4+s20], $0x8, s18, s20, $0xb8;
	[tilespmem:$0x121C0] =	vst v63  }
0x2c: {  	s0 =	simm.s32 $0x0  }
0x2d: {  	v9 =	vimm.f32 $0.0e+00;
	[tilespmem:s22], [sflag:$0x1] =	stream.indirect.gather [hbm4b:s4+s20], $0x8, s19, s20, $0xb8;
	[tilespmem:$0x121C0] =	vst v63  }
.LBB2_3:
0x2e: {  	s1 =	smul.u32 $0xFA0, s0;
	_ =	sdelay $0x1  }
0x2f: {  	s2 =	sadd.s32 s1, s11  }
0x30: {  	s2 =	sshrl.u32 s2, $0x3  }
0x31: {  	s30 =	simm.s32 $0x0;
	s17 =	sadd.s32 s5, s2  }
0x32: {  	[tilespmem:s23], [sflag:$0x3] =	stream.linear.gather [hbm4b:s17+s30], $0x7D0, $0x38;
	[tilespmem:$0x121C0] =	vst v63  }
0x33: {  	_ =	swait.ge [sflag:s15], $0x7D0  }
0x34: {  	[sflag:s15] =	ssyncset.done $0x0  }
0x35: {  	s2 =	sadd.s32 s6, s2;
	[sflag:s15] =	ssyncadd.s32 $0xFFFFF830  }
0x36: {  	[tilespmem:s24], [sflag:$0x3] =	stream.linear.gather [hbm4b:s2+s30], $0x7D0, $0x38;
	[tilespmem:$0x121C0] =	vst v63  }
0x37: {  	_ =	swait.ge [sflag:s15], $0x7D0  }
0x38: {  	[sflag:s15] =	ssyncset.done $0x0  }
0x39: {  	[sflag:s15] =	ssyncadd.s32 $0xFFFFF830  }
0x3a: {  	[tilespmem:s25], [sflag:$0x2] =	stream.indirect.gather [hbm4b:s4+s20], $0x8, s23, s20, $0xb8;
	[tilespmem:$0x121C0] =	vst v63  }
0x3b: {  	_ = 	snop  }
0x3c: {  	v10 =	vmov s30;
	[tilespmem:s26], [sflag:$0x2] =	stream.indirect.gather [hbm4b:s4+s20], $0x8, s24, s20, $0xb8;
	[tilespmem:$0x121C0] =	vst v63  }
0x3d: {  	v10 =	vshll.u32 v10, $0x3;
	_ =	swait.ge [sflag:s28], $0x3E80  }
0x3e: {  	v10 =	vor.u32 v0, v10;
	[sflag:s28] =	ssyncset.done $0x0  }
0x3f: {  	v11 =	vor.u32 $0x2, v10;
	[sflag:s28] =	ssyncadd.s32 $0xFFFFC180  }
0x40: {  	v12 =	vor.u32 $0x1, v10;
	_ =	swait.ge [sflag:s28], $0x3E80  }
0x41: {  	[sflag:s28] =	ssyncset.done $0x0  }
0x42: {  	[sflag:s28] =	ssyncadd.s32 $0xFFFFC180  }
0x43: {  	v13 =	vld.idx.msk [tilespmem:v10+s22+$0x0], $0xffff  }
0x44: {  	v14 =	vld.idx.msk [tilespmem:v11+s21+$0x0], $0xffff  }
0x45: {  	v15 =	vld.idx.msk [tilespmem:v12+s21+$0x0], $0xffff  }
0x46: {  	v16 =	vld.idx.msk [tilespmem:v10+s21+$0x0], $0xffff  }
0x47: {  	v11 =	vld.idx.msk [tilespmem:v11+s22+$0x0], $0xffff  }
0x48: {  	v12 =	vld.idx.msk [tilespmem:v12+s22+$0x0], $0xffff;
	_ =	sdelay $0x2  }
0x49: {  	v13 =	vsub.f32 v16, v13;
	_ =	sdelay $0x1  }
0x4a: {  	v11 =	vsub.f32 v14, v11;
	v12 =	vsub.f32 v15, v12;
	v14 =	vshrl.u32 v13, $0x10  }
0x4b: {  	v10 =	vor.u32 $0x3, v10;
	v14 =	vand.u32 $0x1, v14  }
0x4c: {  	v15 =	vshrl.u32 v11, $0x10;
	v16 =	vshrl.u32 v12, $0x10;
	v13 =	vadd.s32 v14, v13  }
0x4d: {  	s17 =	simm.s32 $0x10;
	v14 =	vand.u32 $0x1, v15;
	v15 =	vand.u32 $0x1, v16;
	v13 =	vadd.s32 $0x7FFF, v13  }
0x4e: {  	v12 =	vadd.s32 v15, v12;
	v11 =	vadd.s32 v14, v11;
	v14 =	vmov s17  }
0x4f: {  	v13 =	vand.u32 $0xFFFF0000, v13;
	v12 =	vadd.s32 $0x7FFF, v12;
	v11 =	vadd.s32 $0x7FFF, v11  }
0x50: {  	v15 =	vld.idx.msk [tilespmem:v10+s21+$0x0], $0xffff;
	v14 =	vshll.u32 v14, $0x3;
	v13 =	vmul.f32 v13, v2;
	v12 =	vand.u32 $0xFFFF0000, v12  }
0x51: {  	v11 =	vand.u32 $0xFFFF0000, v11;
	v14 =	vor.u32 v0, v14;
	v12 =	vmul.f32 v12, v3  }
0x52: {  	v11 =	vmul.f32 v11, v4;
	v17 =	vor.u32 $0x2, v14;
	vm0 =	vgt.f32 v13, $5.000000000e-01  }
0x53: {  	v19 =	vor.u32 $0x3, v14;
	vm1 =	vlt.f32 v13, $-5.000000000e-01;
	v16 =	vsel vm0, $0x3F800000, v1  }
0x54: {  	v10 =	vld.idx.msk [tilespmem:v10+s22+$0x0], $0xffff;
	vm0 =	vgt.f32 v12, $5.000000000e-01;
	v18 =	vsel vm1, $0xBF800000, v1;
	vm1 =	vlt.f32 v12, $-5.000000000e-01  }
0x55: {  	v15 =	vtrunc.f32 v15;
	v20 =	vsel vm0, $0x3F800000, v1;
	v21 =	vsel vm1, $0xBF800000, v1  }
0x56: {  	v16 =	vadd.f32 v18, v16;
	vm1 =	vgt.f32 v11, $5.000000000e-01;
	v20 =	vadd.f32 v21, v20  }
0x57: {  	v18 =	vor.u32 $0x1, v14;
	vm0 =	vlt.f32 v11, $-5.000000000e-01;
	v22 =	vsel vm1, $0x3F800000, v1  }
0x58: {  	v21 =	vld.idx.msk [tilespmem:v14+s22+$0x0], $0xffff;
	v13 =	vsub.f32 v13, v16;
	v16 =	vsel vm0, $0xBF800000, v1;
	v12 =	vsub.f32 v12, v20  }
0x59: {  	v10 =	vtrunc.f32 v10;
	v15 =	vcvt.f32.s32 v15;
	v14 =	vld.idx.msk [tilespmem:v14+s21+$0x0], $0xffff;
	v16 =	vadd.f32 v16, v22  }
0x5a: {  	v10 =	vcvt.f32.s32 v10;
	v20 =	vld.idx.msk [tilespmem:v17+s21+$0x0], $0xffff;
	v23 =	vshrl.u32 v13, $0x10;
	v24 =	vshrl.u32 v12, $0x10  }
0x5b: {  	v22 =	vld.idx.msk [tilespmem:v19+s21+$0x0], $0xffff;
	v23 =	vand.u32 $0x1, v23;
	v11 =	vsub.f32 v11, v16;
	v24 =	vand.u32 $0x1, v24  }
0x5c: {  	v15 =	vshll.u32 v15, $0x5;
	v17 =	vld.idx.msk [tilespmem:v17+s22+$0x0], $0xffff;
	v13 =	vadd.s32 v23, v13;
	v12 =	vadd.s32 v24, v12  }
0x5d: {  	v16 =	vld.idx.msk [tilespmem:v18+s21+$0x0], $0xffff;
	v13 =	vadd.s32 $0x7FFF, v13;
	v23 =	vshrl.u32 v11, $0x10;
	v12 =	vadd.s32 $0x7FFF, v12  }
0x5e: {  	v18 =	vld.idx.msk [tilespmem:v18+s22+$0x0], $0xffff;
	v13 =	vand.u32 $0xFFFF0000, v13;
	v23 =	vand.u32 $0x1, v23;
	v12 =	vand.u32 $0xFFFF0000, v12  }
0x5f: {  	v19 =	vld.idx.msk [tilespmem:v19+s22+$0x0], $0xffff;
	v13 =	vmul.f32 v13, v5;
	v11 =	vadd.s32 v23, v11;
	v12 =	vmul.f32 v12, v6  }
0x60: {  	v10 =	vadd.s32 v10, v15;
	v14 =	vsub.f32 v14, v21;
	v11 =	vadd.s32 $0x7FFF, v11  }
0x61: {  	v13 =	vmul.f32 v13, v13;
	v11 =	vand.u32 $0xFFFF0000, v11;
	v12 =	vmul.f32 v12, v12  }
0x62: {  	v15 =	vtrunc.f32 v22;
	v17 =	vsub.f32 v20, v17;
	v11 =	vmul.f32 v11, v7  }
0x63: {  	v15 =	vcvt.f32.s32 v15;
	v16 =	vsub.f32 v16, v18;
	v13 =	vadd.f32 v12, v13  }
0x64: {  	v12 =	vtrunc.f32 v19;
	v11 =	vmul.f32 v11, v11;
	v19 =	vshrl.u32 v14, $0x10  }
0x65: {  	v18 =	vshrl.u32 v17, $0x10;
	v20 =	vshrl.u32 v16, $0x10;
	v19 =	vand.u32 $0x1, v19  }
0x66: {  	v11 =	vadd.f32 v11, v13;
	v13 =	vadd.s32 v19, v14;
	v14 =	vand.u32 $0x1, v20  }
0x67: {  	v18 =	vand.u32 $0x1, v18;
	v13 =	vadd.s32 $0x7FFF, v13;
	v14 =	vadd.s32 v14, v16  }
0x68: {  	v16 =	vadd.s32 v18, v17;
	v13 =	vand.u32 $0xFFFF0000, v13;
	v14 =	vadd.s32 $0x7FFF, v14  }
0x69: {  	v16 =	vadd.s32 $0x7FFF, v16;
	v11 =	vmax.f32 v11, $9.999999970e-07;
	v17 =	vmul.f32 v13, v2  }
0x6a: {  	s30 =	simm.s32 $0x20;
	v13 =	vand.u32 $0xFFFF0000, v14;
	v14 =	vand.u32 $0xFFFF0000, v16;
	(erf) = vrcp.f32 v11  }
0x6b: {  	v19 =	vmul.f32 v13, v3;
	v16 =	vmul.f32 v14, v4;
	v13 =	vmov s30  }
0x6c: {  	vm0 =	vgt.f32 v17, $5.000000000e-01;
	vm1 =	vlt.f32 v17, $-5.000000000e-01;
	v13 =	vshll.u32 v13, $0x3  }
0x6d: {  	v23 =	vsel vm0, $0x3F800000, v1;
	vm0 =	vgt.f32 v19, $5.000000000e-01;
	v20 =	vor.u32 v0, v13;
	v13 =	vld.idx.msk [tilespmem:v10+s3+$0x0], $0xffff  }
0x6e: {  	v24 =	vsel vm1, $0xBF800000, v1;
	vm1 =	vlt.f32 v16, $-5.000000000e-01;
	v25 =	vsel vm0, $0x3F800000, v1  }
0x6f: {  	vm0 =	vlt.f32 v19, $-5.000000000e-01;
	v18 =	vor.u32 $0x1, v20;
	v21 =	vor.u32 $0x2, v20  }
0x70: {  	v22 =	vsel vm1, $0xBF800000, v1;
	v14 =	vor.u32 $0x3, v20;
	v26 =	vsel vm0, $0xBF800000, v1  }
0x71: {  	s2 =	simm.s32 $0x30;
	v24 =	vadd.f32 v24, v23;
	vm0 =	vgt.f32 v16, $5.000000000e-01;
	v23 =	vadd.f32 v26, v25  }
.LBB2_4:
0x72: {  	p0 =	sne.s32 s2, $0x7C0;
	v12 =	vcvt.f32.s32 v12;
	v25 =	vsel vm0, $0x3F800000, v1;
	v26 =	vld.idx.msk [tilespmem:v10+s16+$0x0], $0xffff;
	v13 =	vmul.f32 v13, v13;
	s17 =	smov.u32 s2;
	s2 =	sadd.s32 $0x10, s2  }
0x73: {  	v27 =	vld.idx.msk [tilespmem:v20+s22+$0x0], $0xffff;
	v10 =	vshll.u32 v15, $0x5;
	v15 =	vsub.f32 v17, v24;
	v17 =	vsub.f32 v19, v23  }
0x74: {  	vm0 =	vlt.f32 v11, v8;
	v19 =	vld.idx.msk [tilespmem:v21+s21+$0x0], $0xffff;
	v10 =	vadd.s32 v12, v10;
	v12 =	vadd.f32 v22, v25;
	v11 =	vpop (erf)  }
0x75: {  	v22 =	vld.idx.msk [tilespmem:v14+s21+$0x0], $0xffff;
	v23 =	vshrl.u32 v15, $0x10;
	v24 =	vshrl.u32 v17, $0x10;
	v11 =	vmul.f32 v11, v13  }
0x76: {  	v13 =	vld.idx.msk [tilespmem:v14+s22+$0x0], $0xffff;
	v14 =	vand.u32 $0x1, v23;
	v23 =	vand.u32 $0x1, v24;
	v12 =	vsub.f32 v16, v12  }
0x77: {  	v16 =	vld.idx.msk [tilespmem:v18+s21+$0x0], $0xffff;
	v14 =	vadd.s32 v14, v15;
	v15 =	vadd.s32 v23, v17;
	v17 =	vmul.f32 v11, v11  }
0x78: {  	v21 =	vld.idx.msk [tilespmem:v21+s22+$0x0], $0xffff;
	v14 =	vadd.s32 $0x7FFF, v14;
	v15 =	vadd.s32 $0x7FFF, v15;
	v23 =	vshrl.u32 v12, $0x10  }
0x79: {  	v20 =	vld.idx.msk [tilespmem:v20+s21+$0x0], $0xffff;
	v14 =	vand.u32 $0xFFFF0000, v14;
	v15 =	vand.u32 $0xFFFF0000, v15;
	v23 =	vand.u32 $0x1, v23  }
0x7a: {  	v18 =	vld.idx.msk [tilespmem:v18+s22+$0x0], $0xffff;
	v14 =	vmul.f32 v14, v5;
	v15 =	vmul.f32 v15, v6;
	v12 =	vadd.s32 v23, v12  }
0x7b: {  	v11 =	vmul.f32 v17, v11;
	v17 =	vmul.f32 $4.000000000e+00, v26;
	v12 =	vadd.s32 $0x7FFF, v12  }
0x7c: {  	v12 =	vand.u32 $0xFFFF0000, v12;
	v14 =	vmul.f32 v14, v14;
	v15 =	vmul.f32 v15, v15  }
0x7d: {  	v23 =	vtrunc.f32 v22;
	v24 =	vadd.f32 $-1.000000000e+00, v11;
	v22 =	vmul.f32 v12, v7  }
0x7e: {  	v11 =	vmul.f32 v11, v17;
	v19 =	vsub.f32 v19, v21;
	v14 =	vadd.f32 v15, v14  }
0x7f: {  	v12 =	vtrunc.f32 v13;
	v13 =	vsub.f32 v20, v27;
	v15 =	vmul.f32 v22, v22  }
0x80: {  	v11 =	vmul.f32 v24, v11;
	v16 =	vsub.f32 v16, v18;
	v17 =	vshrl.u32 v19, $0x10  }
0x81: {  	v18 =	vshrl.u32 v13, $0x10;
	v17 =	vand.u32 $0x1, v17;
	v14 =	vadd.f32 v15, v14  }
0x82: {  	v20 =	vnsel vm0, $0x0, v11;
	v15 =	vand.u32 $0x1, v18;
	v18 =	vshrl.u32 v16, $0x10  }
0x83: {  	v13 =	vadd.s32 v15, v13;
	v15 =	vand.u32 $0x1, v18;
	v11 =	vmax.f32 v14, $9.999999970e-07  }
0x84: {  	v13 =	vadd.s32 $0x7FFF, v13;
	v14 =	vadd.s32 v15, v16;
	v15 =	vadd.s32 v17, v19  }
0x85: {  	v13 =	vand.u32 $0xFFFF0000, v13;
	v14 =	vadd.s32 $0x7FFF, v14;
	v15 =	vadd.s32 $0x7FFF, v15  }
0x86: {  	v17 =	vmul.f32 v13, v2;
	v13 =	vand.u32 $0xFFFF0000, v14;
	v14 =	vand.u32 $0xFFFF0000, v15  }
0x87: {  	v9 =	vadd.f32 v20, v9;
	v19 =	vmul.f32 v13, v3;
	v16 =	vmul.f32 v14, v4  }
0x88: {  	vm0 =	vgt.f32 v17, $5.000000000e-01;
	vm1 =	vlt.f32 v17, $-5.000000000e-01;
	(erf) = vrcp.f32 v11  }
0x89: {  	v14 =	vmov s17;
	v24 =	vsel vm0, $0x3F800000, v1;
	vm0 =	vgt.f32 v19, $5.000000000e-01;
	v13 =	vld.idx.msk [tilespmem:v10+s3+$0x0], $0xffff  }
.Ltmp0:
0x8a: {  	v14 =	vshll.u32 v14, $0x3;
	v25 =	vsel vm1, $0xBF800000, v1;
	v26 =	vsel vm0, $0x3F800000, v1;
	(pc) =	sbr.rel @p0 .LBB2_4-.Ltmp0, $4  }
0x8b: {  	v20 =	vor.u32 v0, v14;
	vm1 =	vlt.f32 v16, $-5.000000000e-01;
	vm0 =	vlt.f32 v19, $-5.000000000e-01  }
0x8c: {  	v18 =	vor.u32 $0x1, v20;
	v21 =	vor.u32 $0x2, v20;
	v22 =	vsel vm1, $0xBF800000, v1  }
0x8d: {  	v14 =	vor.u32 $0x3, v20;
	v27 =	vsel vm0, $0xBF800000, v1;
	vm0 =	vgt.f32 v16, $5.000000000e-01  }
0x8e: {  	v15 =	vcvt.f32.s32 v23;
	v24 =	vadd.f32 v25, v24;
	v23 =	vadd.f32 v27, v26  }
0x8f: {  	_ =	sdelay $0x3  }
0x90: {  	v25 =	vld.idx.msk [tilespmem:v20+s22+$0x0], $0xffff  }
0x91: {  	v26 =	vld.idx.msk [tilespmem:v21+s21+$0x0], $0xffff  }
0x92: {  	v20 =	vld.idx.msk [tilespmem:v20+s21+$0x0], $0xffff  }
0x93: {  	v21 =	vld.idx.msk [tilespmem:v21+s22+$0x0], $0xffff  }
0x94: {  	v17 =	vsub.f32 v17, v24;
	v24 =	vsel vm0, $0x3F800000, v1;
	v19 =	vsub.f32 v19, v23;
	v23 =	vld.idx.msk [tilespmem:v18+s21+$0x0], $0xffff  }
0x95: {  	v18 =	vld.idx.msk [tilespmem:v18+s22+$0x0], $0xffff;
	v22 =	vadd.f32 v22, v24  }
0x96: {  	v24 =	vshrl.u32 v17, $0x10;
	v27 =	vshrl.u32 v19, $0x10  }
0x97: {  	v24 =	vand.u32 $0x1, v24;
	v16 =	vsub.f32 v16, v22;
	v22 =	vand.u32 $0x1, v27  }
0x98: {  	v17 =	vadd.s32 v24, v17;
	v19 =	vadd.s32 v22, v19  }
0x99: {  	v20 =	vsub.f32 v20, v25;
	v21 =	vsub.f32 v26, v21;
	v17 =	vadd.s32 $0x7FFF, v17  }
0x9a: {  	v19 =	vadd.s32 $0x7FFF, v19;
	v22 =	vshrl.u32 v16, $0x10;
	v18 =	vsub.f32 v23, v18  }
0x9b: {  	v17 =	vand.u32 $0xFFFF0000, v17;
	v19 =	vand.u32 $0xFFFF0000, v19;
	v23 =	vshrl.u32 v20, $0x10  }
0x9c: {  	v22 =	vand.u32 $0x1, v22;
	v23 =	vand.u32 $0x1, v23;
	v17 =	vmul.f32 v17, v5  }
0x9d: {  	v24 =	vshrl.u32 v18, $0x10;
	v16 =	vadd.s32 v22, v16;
	v20 =	vadd.s32 v23, v20  }
0x9e: {  	v23 =	vshrl.u32 v21, $0x10;
	v24 =	vand.u32 $0x1, v24;
	v20 =	vadd.s32 $0x7FFF, v20  }
0x9f: {  	v23 =	vand.u32 $0x1, v23;
	v18 =	vadd.s32 v24, v18;
	v20 =	vand.u32 $0xFFFF0000, v20  }
0xa0: {  	v21 =	vadd.s32 v23, v21;
	v18 =	vadd.s32 $0x7FFF, v18;
	v20 =	vmul.f32 v20, v2  }
0xa1: {  	v19 =	vmul.f32 v19, v6;
	v21 =	vadd.s32 $0x7FFF, v21;
	v18 =	vand.u32 $0xFFFF0000, v18  }
0xa2: {  	v21 =	vand.u32 $0xFFFF0000, v21;
	v18 =	vmul.f32 v18, v3;
	vm0 =	vgt.f32 v20, $5.000000000e-01  }
0xa3: {  	v21 =	vmul.f32 v21, v4;
	vm1 =	vlt.f32 v20, $-5.000000000e-01;
	v22 =	vsel vm0, $0x3F800000, v1  }
0xa4: {  	vm0 =	vgt.f32 v18, $5.000000000e-01;
	v23 =	vsel vm1, $0xBF800000, v1;
	vm1 =	vlt.f32 v18, $-5.000000000e-01  }
0xa5: {  	v24 =	vsel vm0, $0x3F800000, v1;
	v25 =	vsel vm1, $0xBF800000, v1;
	v22 =	vadd.f32 v23, v22  }
0xa6: {  	vm0 =	vlt.f32 v21, $-5.000000000e-01;
	vm1 =	vgt.f32 v21, $5.000000000e-01;
	v23 =	vadd.f32 v25, v24  }
0xa7: {  	v24 =	vsel vm0, $0xBF800000, v1;
	v25 =	vsel vm1, $0x3F800000, v1;
	v20 =	vsub.f32 v20, v22  }
0xa8: {  	v16 =	vadd.s32 $0x7FFF, v16;
	v22 =	vadd.f32 v24, v25;
	v18 =	vsub.f32 v18, v23  }
0xa9: {  	v16 =	vand.u32 $0xFFFF0000, v16;
	v17 =	vmul.f32 v17, v17;
	v23 =	vshrl.u32 v20, $0x10  }
0xaa: {  	v21 =	vsub.f32 v21, v22;
	v24 =	vshrl.u32 v18, $0x10;
	v23 =	vand.u32 $0x1, v23  }
0xab: {  	v16 =	vmul.f32 v16, v7;
	v22 =	vand.u32 $0x1, v24;
	v20 =	vadd.s32 v23, v20  }
0xac: {  	v18 =	vadd.s32 v22, v18;
	v20 =	vadd.s32 $0x7FFF, v20;
	v22 =	vshrl.u32 v21, $0x10  }
0xad: {  	v18 =	vadd.s32 $0x7FFF, v18;
	v20 =	vand.u32 $0xFFFF0000, v20;
	v22 =	vand.u32 $0x1, v22  }
0xae: {  	v18 =	vand.u32 $0xFFFF0000, v18;
	v20 =	vmul.f32 v20, v5;
	v21 =	vadd.s32 v22, v21  }
0xaf: {  	v19 =	vmul.f32 v19, v19;
	v18 =	vmul.f32 v18, v6;
	v21 =	vadd.s32 $0x7FFF, v21  }
0xb0: {  	v16 =	vmul.f32 v16, v16;
	v21 =	vand.u32 $0xFFFF0000, v21;
	v20 =	vmul.f32 v20, v20  }
0xb1: {  	v17 =	vadd.f32 v19, v17;
	v22 =	vld.idx.msk [tilespmem:v14+s21+$0x0], $0xffff;
	v18 =	vmul.f32 v18, v18;
	v21 =	vmul.f32 v21, v7  }
0xb2: {  	v14 =	vld.idx.msk [tilespmem:v14+s22+$0x0], $0xffff  }
0xb3: {  	v16 =	vadd.f32 v16, v17;
	v18 =	vadd.f32 v18, v20;
	v19 =	vmul.f32 v21, v21  }
0xb4: {  	v12 =	vcvt.f32.s32 v12  }
0xb5: {  	v15 =	vshll.u32 v15, $0x5;
	v16 =	vmax.f32 v16, $9.999999970e-07;
	v17 =	vadd.f32 v19, v18  }
0xb6: {  	v12 =	vadd.s32 v12, v15;
	(erf) = vrcp.f32 v16;
	v15 =	vtrunc.f32 v22  }
0xb7: {  	v14 =	vtrunc.f32 v14;
	v15 =	vcvt.f32.s32 v15;
	v17 =	vmax.f32 v17, $9.999999970e-07  }
0xb8: {  	v14 =	vcvt.f32.s32 v14;
	(erf) = vrcp.f32 v17  }
0xb9: {  	v15 =	vshll.u32 v15, $0x5  }
0xba: {  	v14 =	vadd.s32 v14, v15;
	_ =	sdelay $0x1  }
0xbb: {  	v10 =	vld.idx.msk [tilespmem:v10+s16+$0x0], $0xffff;
	p0 =	seq.s32 s0, $0x18  }
0xbc: {  	s1 =	sadd.s32 @!p0 s1, s12;
	v15 =	vld.idx.msk [tilespmem:v12+s3+$0x0], $0xffff  }
0xbd: {  	s1 =	sshrl.u32 @!p0 s1, $0x3;
	v12 =	vld.idx.msk [tilespmem:v12+s16+$0x0], $0xffff  }
0xbe: {  	s17 =	simm.s32 @!p0 $0x0;
	s30 =	simm.s32 @!p0 $0x870;
	s2 =	sadd.s32 @!p0 s5, s1;
	v19 =	vpop (erf);
	v18 =	vld.idx.msk [tilespmem:v14+s3+$0x0], $0xffff  }
0xbf: {  	v20 =	vpop (erf);
	v14 =	vld.idx.msk [tilespmem:v14+s16+$0x0], $0xffff;
	[tilespmem:s30], [sflag:$0x3] =	stream.linear.gather @!p0 [hbm4b:s2+s17], $0x7D0, $0x38  }
0xc0: {  	s2 =	simm.s32 @!p0 $0x3;
	v21 =	vpop (erf)  }
0xc1: {  	_ =	swait.ge @!p0 [sflag:s2], $0x7D0  }
0xc2: {  	[sflag:s2] =	ssyncset.done @!p0 $0x0  }
0xc3: {  	s7 =	simm.s32 @!p0 $0x1040;
	s1 =	sadd.s32 @!p0 s6, s1;
	[sflag:s2] =	ssyncadd.s32 @!p0 $0xFFFFF830  }
0xc4: {  	[tilespmem:s7], [sflag:$0x3] =	stream.linear.gather @!p0 [hbm4b:s1+s17], $0x7D0, $0x38;
	[tilespmem:$0x121C0] =	vst v63  }
0xc5: {  	_ =	swait.ge @!p0 [sflag:s2], $0x7D0  }
0xc6: {  	[sflag:s2] =	ssyncset.done @!p0 $0x0  }
0xc7: {  	s1 =	simm.s32 @!p0 $0x7D0;
	[sflag:s2] =	ssyncadd.s32 @!p0 $0xFFFFF830;
	s2 =	simm.s32 @!p0 $0x27B0  }
0xc8: {  	[tilespmem:s2], [sflag:$0x1] =	stream.indirect.gather @!p0 [hbm4b:s4+s1], $0x8, s30, s1, $0xb8;
	[tilespmem:$0x121C0] =	vst v63  }
0xc9: {  	v13 =	vmul.f32 v13, v13;
	s2 =	simm.s32 @!p0 $0x6630;
	s30 =	simm.s32 $0x0  }
0xca: {  	v22 =	vmov s30;
	[tilespmem:s2], [sflag:$0x1] =	stream.indirect.gather @!p0 [hbm4b:s4+s1], $0x8, s7, s1, $0xb8;
	[tilespmem:$0x121C0] =	vst v63  }
0xcb: {  	v13 =	vmul.f32 v19, v13;
	v19 =	vshll.u32 v22, $0x3;
	_ =	swait.ge [sflag:s29], $0x3E80  }
0xcc: {  	v19 =	vor.u32 v0, v19;
	[sflag:s29] =	ssyncset.done $0x0  }
0xcd: {  	v15 =	vmul.f32 v15, v15;
	v23 =	vor.u32 $0x2, v19;
	[sflag:s29] =	ssyncadd.s32 $0xFFFFC180  }
0xce: {  	v18 =	vmul.f32 v18, v18;
	v24 =	vor.u32 $0x1, v19;
	_ =	swait.ge [sflag:s29], $0x3E80  }
0xcf: {  	v15 =	vmul.f32 v20, v15;
	v22 =	vmul.f32 v13, v13;
	[sflag:s29] =	ssyncset.done $0x0  }
0xd0: {  	v10 =	vmul.f32 $4.000000000e+00, v10;
	v18 =	vmul.f32 v21, v18;
	[sflag:s29] =	ssyncadd.s32 $0xFFFFC180  }
0xd1: {  	v20 =	vmul.f32 v15, v15;
	v13 =	vmul.f32 v22, v13;
	v21 =	vld.idx.msk [tilespmem:v19+s26+$0x0], $0xffff  }
0xd2: {  	v12 =	vmul.f32 $4.000000000e+00, v12;
	v22 =	vmul.f32 v18, v18;
	v25 =	vld.idx.msk [tilespmem:v23+s25+$0x0], $0xffff  }
0xd3: {  	v15 =	vmul.f32 v20, v15;
	v10 =	vmul.f32 v13, v10;
	v13 =	vadd.f32 $-1.000000000e+00, v13;
	v20 =	vld.idx.msk [tilespmem:v24+s25+$0x0], $0xffff  }
0xd4: {  	v14 =	vmul.f32 $4.000000000e+00, v14;
	v18 =	vmul.f32 v22, v18;
	v22 =	vld.idx.msk [tilespmem:v19+s25+$0x0], $0xffff  }
0xd5: {  	v12 =	vmul.f32 v15, v12;
	v10 =	vmul.f32 v13, v10;
	v13 =	vadd.f32 $-1.000000000e+00, v15;
	v15 =	vld.idx.msk [tilespmem:v23+s26+$0x0], $0xffff  }
0xd6: {  	vm0 =	vlt.f32 v11, v8;
	v11 =	vadd.f32 $-1.000000000e+00, v18;
	v14 =	vmul.f32 v18, v14;
	v18 =	vld.idx.msk [tilespmem:v24+s26+$0x0], $0xffff  }
0xd7: {  	v10 =	vnsel vm0, $0x0, v10;
	v12 =	vmul.f32 v13, v12  }
0xd8: {  	vm0 =	vlt.f32 v16, v8;
	v9 =	vadd.f32 v10, v9;
	v10 =	vmul.f32 v11, v14  }
0xd9: {  	v11 =	vnsel vm0, $0x0, v12;
	vm0 =	vlt.f32 v17, v8;
	v12 =	vsub.f32 v22, v21  }
0xda: {  	v9 =	vadd.f32 v11, v9;
	v10 =	vnsel vm0, $0x0, v10  }
0xdb: {  	v11 =	vsub.f32 v25, v15;
	v13 =	vsub.f32 v20, v18;
	v14 =	vshrl.u32 v12, $0x10  }
0xdc: {  	v9 =	vadd.f32 v10, v9;
	v10 =	vor.u32 $0x3, v19;
	v14 =	vand.u32 $0x1, v14  }
0xdd: {  	v15 =	vshrl.u32 v11, $0x10;
	v16 =	vshrl.u32 v13, $0x10;
	v12 =	vadd.s32 v14, v12  }
0xde: {  	s17 =	simm.s32 $0x10;
	v14 =	vand.u32 $0x1, v15;
	v15 =	vand.u32 $0x1, v16;
	v12 =	vadd.s32 $0x7FFF, v12  }
0xdf: {  	v13 =	vadd.s32 v15, v13;
	v11 =	vadd.s32 v14, v11;
	v14 =	vmov s17  }
0xe0: {  	v12 =	vand.u32 $0xFFFF0000, v12;
	v13 =	vadd.s32 $0x7FFF, v13;
	v11 =	vadd.s32 $0x7FFF, v11  }
0xe1: {  	v14 =	vshll.u32 v14, $0x3;
	v12 =	vmul.f32 v12, v2;
	v13 =	vand.u32 $0xFFFF0000, v13  }
0xe2: {  	v15 =	vld.idx.msk [tilespmem:v10+s25+$0x0], $0xffff;
	v11 =	vand.u32 $0xFFFF0000, v11;
	v14 =	vor.u32 v0, v14;
	v13 =	vmul.f32 v13, v3  }
0xe3: {  	v11 =	vmul.f32 v11, v4;
	v17 =	vor.u32 $0x2, v14;
	vm0 =	vgt.f32 v12, $5.000000000e-01  }
0xe4: {  	v19 =	vor.u32 $0x3, v14;
	vm1 =	vlt.f32 v12, $-5.000000000e-01;
	v16 =	vsel vm0, $0x3F800000, v1  }
0xe5: {  	v10 =	vld.idx.msk [tilespmem:v10+s26+$0x0], $0xffff;
	vm0 =	vgt.f32 v13, $5.000000000e-01;
	v18 =	vsel vm1, $0xBF800000, v1;
	vm1 =	vlt.f32 v13, $-5.000000000e-01  }
0xe6: {  	v20 =	vsel vm0, $0x3F800000, v1;
	v21 =	vsel vm1, $0xBF800000, v1;
	v16 =	vadd.f32 v18, v16  }
0xe7: {  	v15 =	vtrunc.f32 v15;
	v18 =	vor.u32 $0x1, v14;
	vm1 =	vgt.f32 v11, $5.000000000e-01  }
0xe8: {  	vm0 =	vlt.f32 v11, $-5.000000000e-01;
	v20 =	vadd.f32 v21, v20;
	v22 =	vsel vm1, $0x3F800000, v1  }
0xe9: {  	v21 =	vld.idx.msk [tilespmem:v14+s26+$0x0], $0xffff;
	v15 =	vcvt.f32.s32 v15;
	v12 =	vsub.f32 v12, v16;
	v16 =	vsel vm0, $0xBF800000, v1  }
0xea: {  	v10 =	vtrunc.f32 v10;
	v14 =	vld.idx.msk [tilespmem:v14+s25+$0x0], $0xffff;
	v13 =	vsub.f32 v13, v20;
	v16 =	vadd.f32 v16, v22  }
0xeb: {  	v10 =	vcvt.f32.s32 v10;
	v20 =	vld.idx.msk [tilespmem:v17+s25+$0x0], $0xffff;
	v15 =	vshll.u32 v15, $0x5;
	v23 =	vshrl.u32 v12, $0x10  }
0xec: {  	v22 =	vld.idx.msk [tilespmem:v19+s25+$0x0], $0xffff;
	v24 =	vshrl.u32 v13, $0x10;
	v23 =	vand.u32 $0x1, v23;
	v11 =	vsub.f32 v11, v16  }
0xed: {  	v17 =	vld.idx.msk [tilespmem:v17+s26+$0x0], $0xffff;
	v10 =	vadd.s32 v10, v15;
	v24 =	vand.u32 $0x1, v24;
	v12 =	vadd.s32 v23, v12  }
0xee: {  	v16 =	vld.idx.msk [tilespmem:v18+s25+$0x0], $0xffff;
	v13 =	vadd.s32 v24, v13;
	v12 =	vadd.s32 $0x7FFF, v12;
	v23 =	vshrl.u32 v11, $0x10  }
0xef: {  	v18 =	vld.idx.msk [tilespmem:v18+s26+$0x0], $0xffff;
	v13 =	vadd.s32 $0x7FFF, v13;
	v12 =	vand.u32 $0xFFFF0000, v12;
	v23 =	vand.u32 $0x1, v23  }
0xf0: {  	v13 =	vand.u32 $0xFFFF0000, v13;
	v12 =	vmul.f32 v12, v5;
	v11 =	vadd.s32 v23, v11  }
0xf1: {  	v19 =	vld.idx.msk [tilespmem:v19+s26+$0x0], $0xffff;
	v22 =	vtrunc.f32 v22;
	v13 =	vmul.f32 v13, v6;
	v11 =	vadd.s32 $0x7FFF, v11  }
0xf2: {  	v15 =	vsub.f32 v20, v17;
	v12 =	vmul.f32 v12, v12;
	v11 =	vand.u32 $0xFFFF0000, v11  }
0xf3: {  	v14 =	vsub.f32 v14, v21;
	v13 =	vmul.f32 v13, v13;
	v11 =	vmul.f32 v11, v7  }
0xf4: {  	v22 =	vcvt.f32.s32 v22;
	v16 =	vsub.f32 v16, v18;
	v17 =	vshrl.u32 v15, $0x10  }
0xf5: {  	v18 =	vshrl.u32 v14, $0x10;
	v12 =	vadd.f32 v13, v12;
	v11 =	vmul.f32 v11, v11  }
0xf6: {  	v17 =	vand.u32 $0x1, v17;
	v18 =	vand.u32 $0x1, v18;
	v13 =	vtrunc.f32 v19  }
0xf7: {  	v19 =	vshrl.u32 v16, $0x10;
	v11 =	vadd.f32 v11, v12;
	v12 =	vadd.s32 v18, v14  }
0xf8: {  	v15 =	vadd.s32 v17, v15;
	v14 =	vand.u32 $0x1, v19;
	v12 =	vadd.s32 $0x7FFF, v12  }
0xf9: {  	v15 =	vadd.s32 $0x7FFF, v15;
	v14 =	vadd.s32 v14, v16;
	v12 =	vand.u32 $0xFFFF0000, v12  }
0xfa: {  	v14 =	vadd.s32 $0x7FFF, v14;
	v11 =	vmax.f32 v11, $9.999999970e-07;
	v16 =	vmul.f32 v12, v2  }
0xfb: {  	s30 =	simm.s32 $0x20;
	v12 =	vand.u32 $0xFFFF0000, v14;
	v14 =	vand.u32 $0xFFFF0000, v15;
	(erf) = vrcp.f32 v11  }
0xfc: {  	v19 =	vmul.f32 v12, v3;
	v15 =	vmul.f32 v14, v4;
	v12 =	vmov s30  }
0xfd: {  	vm0 =	vgt.f32 v16, $5.000000000e-01;
	vm1 =	vlt.f32 v16, $-5.000000000e-01;
	v12 =	vshll.u32 v12, $0x3  }
0xfe: {  	v23 =	vsel vm0, $0x3F800000, v1;
	vm0 =	vgt.f32 v19, $5.000000000e-01;
	v18 =	vor.u32 v0, v12;
	v12 =	vld.idx.msk [tilespmem:v10+s3+$0x0], $0xffff  }
0xff: {  	v24 =	vsel vm1, $0xBF800000, v1;
	vm1 =	vlt.f32 v15, $-5.000000000e-01;
	v25 =	vsel vm0, $0x3F800000, v1  }
0x100: {  	vm0 =	vlt.f32 v19, $-5.000000000e-01;
	v17 =	vor.u32 $0x1, v18;
	v20 =	vor.u32 $0x2, v18  }
0x101: {  	v21 =	vsel vm1, $0xBF800000, v1;
	v14 =	vor.u32 $0x3, v18;
	v26 =	vsel vm0, $0xBF800000, v1  }
0x102: {  	s0 =	sadd.s32 $0x1, s0;
	s1 =	simm.s32 $0x30;
	v24 =	vadd.f32 v24, v23;
	vm0 =	vgt.f32 v15, $5.000000000e-01;
	v23 =	vadd.f32 v26, v25  }
.LBB2_6:
0x103: {  	p0 =	seq.s32 s1, $0x7C0;
	v13 =	vcvt.f32.s32 v13;
	v25 =	vsel vm0, $0x3F800000, v1;
	v26 =	vld.idx.msk [tilespmem:v10+s16+$0x0], $0xffff;
	v12 =	vmul.f32 v12, v12;
	s2 =	smov.u32 s1;
	s1 =	sadd.s32 $0x10, s1  }
0x104: {  	v27 =	vld.idx.msk [tilespmem:v18+s26+$0x0], $0xffff;
	v10 =	vshll.u32 v22, $0x5;
	v16 =	vsub.f32 v16, v24;
	v19 =	vsub.f32 v19, v23  }
0x105: {  	vm0 =	vlt.f32 v11, v8;
	v22 =	vld.idx.msk [tilespmem:v20+s25+$0x0], $0xffff;
	v10 =	vadd.s32 v13, v10;
	v13 =	vadd.f32 v21, v25;
	v11 =	vpop (erf)  }
0x106: {  	v21 =	vld.idx.msk [tilespmem:v14+s25+$0x0], $0xffff;
	v23 =	vshrl.u32 v16, $0x10;
	v24 =	vshrl.u32 v19, $0x10;
	v11 =	vmul.f32 v11, v12  }
0x107: {  	v12 =	vld.idx.msk [tilespmem:v14+s26+$0x0], $0xffff;
	v14 =	vand.u32 $0x1, v23;
	v23 =	vand.u32 $0x1, v24;
	v13 =	vsub.f32 v15, v13  }
0x108: {  	v15 =	vld.idx.msk [tilespmem:v17+s25+$0x0], $0xffff;
	v14 =	vadd.s32 v14, v16;
	v16 =	vadd.s32 v23, v19;
	v19 =	vmul.f32 v11, v11  }
0x109: {  	v20 =	vld.idx.msk [tilespmem:v20+s26+$0x0], $0xffff;
	v14 =	vadd.s32 $0x7FFF, v14;
	v16 =	vadd.s32 $0x7FFF, v16;
	v23 =	vshrl.u32 v13, $0x10  }
0x10a: {  	v18 =	vld.idx.msk [tilespmem:v18+s25+$0x0], $0xffff;
	v14 =	vand.u32 $0xFFFF0000, v14;
	v16 =	vand.u32 $0xFFFF0000, v16;
	v23 =	vand.u32 $0x1, v23  }
0x10b: {  	v17 =	vld.idx.msk [tilespmem:v17+s26+$0x0], $0xffff;
	v14 =	vmul.f32 v14, v5;
	v16 =	vmul.f32 v16, v6;
	v13 =	vadd.s32 v23, v13  }
0x10c: {  	v11 =	vmul.f32 v19, v11;
	v19 =	vmul.f32 $4.000000000e+00, v26;
	v13 =	vadd.s32 $0x7FFF, v13  }
0x10d: {  	v13 =	vand.u32 $0xFFFF0000, v13;
	v14 =	vmul.f32 v14, v14;
	v16 =	vmul.f32 v16, v16  }
0x10e: {  	v23 =	vtrunc.f32 v21;
	v24 =	vadd.f32 $-1.000000000e+00, v11;
	v21 =	vmul.f32 v13, v7  }
0x10f: {  	v11 =	vmul.f32 v11, v19;
	v20 =	vsub.f32 v22, v20;
	v14 =	vadd.f32 v16, v14  }
0x110: {  	v13 =	vtrunc.f32 v12;
	v12 =	vsub.f32 v18, v27;
	v16 =	vmul.f32 v21, v21  }
0x111: {  	v11 =	vmul.f32 v24, v11;
	v15 =	vsub.f32 v15, v17;
	v17 =	vshrl.u32 v20, $0x10  }
0x112: {  	v18 =	vshrl.u32 v12, $0x10;
	v17 =	vand.u32 $0x1, v17;
	v14 =	vadd.f32 v16, v14  }
0x113: {  	v21 =	vnsel vm0, $0x0, v11;
	v16 =	vand.u32 $0x1, v18;
	v18 =	vshrl.u32 v15, $0x10  }
0x114: {  	v12 =	vadd.s32 v16, v12;
	v16 =	vand.u32 $0x1, v18;
	v11 =	vmax.f32 v14, $9.999999970e-07  }
0x115: {  	v12 =	vadd.s32 $0x7FFF, v12;
	v14 =	vadd.s32 v16, v15;
	v15 =	vadd.s32 v17, v20  }
0x116: {  	v12 =	vand.u32 $0xFFFF0000, v12;
	v14 =	vadd.s32 $0x7FFF, v14;
	v15 =	vadd.s32 $0x7FFF, v15  }
0x117: {  	v16 =	vmul.f32 v12, v2;
	v12 =	vand.u32 $0xFFFF0000, v14;
	v14 =	vand.u32 $0xFFFF0000, v15  }
0x118: {  	v9 =	vadd.f32 v21, v9;
	v19 =	vmul.f32 v12, v3;
	v15 =	vmul.f32 v14, v4  }
0x119: {  	vm0 =	vgt.f32 v16, $5.000000000e-01;
	vm1 =	vlt.f32 v16, $-5.000000000e-01;
	(erf) = vrcp.f32 v11  }
0x11a: {  	v14 =	vmov s2;
	v24 =	vsel vm0, $0x3F800000, v1;
	vm0 =	vgt.f32 v19, $5.000000000e-01;
	v12 =	vld.idx.msk [tilespmem:v10+s3+$0x0], $0xffff  }
.Ltmp1:
0x11b: {  	v14 =	vshll.u32 v14, $0x3;
	v25 =	vsel vm1, $0xBF800000, v1;
	v26 =	vsel vm0, $0x3F800000, v1;
	(pc) =	sbr.rel @!p0 .LBB2_6-.Ltmp1, $4  }
0x11c: {  	v18 =	vor.u32 v0, v14;
	vm1 =	vlt.f32 v15, $-5.000000000e-01;
	vm0 =	vlt.f32 v19, $-5.000000000e-01  }
0x11d: {  	v17 =	vor.u32 $0x1, v18;
	v20 =	vor.u32 $0x2, v18;
	v21 =	vsel vm1, $0xBF800000, v1  }
0x11e: {  	v14 =	vor.u32 $0x3, v18;
	v27 =	vsel vm0, $0xBF800000, v1;
	vm0 =	vgt.f32 v15, $5.000000000e-01  }
0x11f: {  	v22 =	vcvt.f32.s32 v23;
	v24 =	vadd.f32 v25, v24;
	v23 =	vadd.f32 v27, v26  }
0x120: {  	_ =	sdelay $0x3  }
0x121: {  	v25 =	vld.idx.msk [tilespmem:v18+s26+$0x0], $0xffff  }
0x122: {  	v60 =	vld.idx.msk [tilespmem:v20+s25+$0x0], $0xffff  }
0x123: {  	v61 =	vld.idx.msk [tilespmem:v18+s25+$0x0], $0xffff  }
0x124: {  	v63 =	vld.idx.msk [tilespmem:v17+s25+$0x0], $0xffff  }
0x125: {  	v26 =	vsel vm0, $0x3F800000, v1;
	v28 =	vld.idx.msk [tilespmem:v17+s26+$0x0], $0xffff;
	v16 =	vsub.f32 v16, v24;
	v19 =	vsub.f32 v19, v23  }
0x126: {  	v29 =	vld.idx.msk [tilespmem:v20+s26+$0x0], $0xffff;
	v21 =	vadd.f32 v21, v26  }
0x127: {  	v62 =	vshrl.u32 v16, $0x10;
	v27 =	vshrl.u32 v19, $0x10  }
0x128: {  	v15 =	vsub.f32 v15, v21;
	v23 =	vand.u32 $0x1, v62;
	v21 =	vand.u32 $0x1, v27  }
0x129: {  	v13 =	vcvt.f32.s32 v13;
	v16 =	vadd.s32 v23, v16;
	v19 =	vadd.s32 v21, v19  }
0x12a: {  	v30 =	vshrl.u32 v15, $0x10;
	v18 =	vsub.f32 v61, v25;
	v17 =	vsub.f32 v63, v28  }
0x12b: {  	v20 =	vsub.f32 v60, v29;
	v16 =	vadd.s32 $0x7FFF, v16;
	v19 =	vadd.s32 $0x7FFF, v19  }
0x12c: {  	v21 =	vand.u32 $0x1, v30;
	v16 =	vand.u32 $0xFFFF0000, v16;
	v19 =	vand.u32 $0xFFFF0000, v19  }
0x12d: {  	v31 =	vshrl.u32 v18, $0x10;
	v15 =	vadd.s32 v21, v15;
	v32 =	vshrl.u32 v17, $0x10  }
0x12e: {  	v33 =	vshrl.u32 v20, $0x10;
	v16 =	vmul.f32 v16, v5;
	v23 =	vand.u32 $0x1, v31  }
0x12f: {  	v19 =	vmul.f32 v19, v6;
	v21 =	vand.u32 $0x1, v32;
	v18 =	vadd.s32 v23, v18  }
0x130: {  	v23 =	vand.u32 $0x1, v33;
	v17 =	vadd.s32 v21, v17;
	v18 =	vadd.s32 $0x7FFF, v18  }
0x131: {  	v20 =	vadd.s32 v23, v20;
	v17 =	vadd.s32 $0x7FFF, v17;
	v18 =	vand.u32 $0xFFFF0000, v18  }
0x132: {  	v20 =	vadd.s32 $0x7FFF, v20;
	v17 =	vand.u32 $0xFFFF0000, v17;
	v18 =	vmul.f32 v18, v2  }
0x133: {  	v15 =	vadd.s32 $0x7FFF, v15;
	v20 =	vand.u32 $0xFFFF0000, v20;
	v17 =	vmul.f32 v17, v3  }
0x134: {  	v20 =	vmul.f32 v20, v4;
	vm8 =	vgt.f32 v18, $5.000000000e-01;
	vm1 =	vlt.f32 v18, $-5.000000000e-01  }
0x135: {  	vm9 =	vgt.f32 v17, $5.000000000e-01;
	vm10 =	vlt.f32 v17, $-5.000000000e-01;
	v34 =	vsel vm8, $0x3F800000, v1  }
0x136: {  	v45 =	vld.idx.msk [tilespmem:v14+s25+$0x0], $0xffff;
	v35 =	vsel vm1, $0xBF800000, v1;
	v36 =	vsel vm9, $0x3F800000, v1;
	v37 =	vsel vm10, $0xBF800000, v1  }
0x137: {  	vm11 =	vlt.f32 v20, $-5.000000000e-01;
	vm12 =	vgt.f32 v20, $5.000000000e-01;
	v21 =	vadd.f32 v35, v34  }
0x138: {  	v38 =	vadd.f32 v37, v36;
	v39 =	vsel vm11, $0xBF800000, v1;
	v40 =	vsel vm12, $0x3F800000, v1  }
0x139: {  	v15 =	vand.u32 $0xFFFF0000, v15;
	v16 =	vmul.f32 v16, v16;
	v41 =	vadd.f32 v39, v40  }
0x13a: {  	v19 =	vmul.f32 v19, v19;
	v18 =	vsub.f32 v18, v21;
	v17 =	vsub.f32 v17, v38  }
0x13b: {  	v49 =	vtrunc.f32 v45;
	v15 =	vmul.f32 v15, v7;
	v20 =	vsub.f32 v20, v41  }
0x13c: {  	v16 =	vadd.f32 v19, v16;
	v42 =	vshrl.u32 v18, $0x10;
	v43 =	vshrl.u32 v17, $0x10  }
0x13d: {  	v23 =	vand.u32 $0x1, v42;
	v44 =	vand.u32 $0x1, v43;
	v46 =	vshrl.u32 v20, $0x10  }
0x13e: {  	v18 =	vadd.s32 v23, v18;
	v17 =	vadd.s32 v44, v17;
	v21 =	vand.u32 $0x1, v46  }
0x13f: {  	v47 =	vld.idx.msk [tilespmem:v14+s26+$0x0], $0xffff;
	v18 =	vadd.s32 $0x7FFF, v18;
	v17 =	vadd.s32 $0x7FFF, v17;
	v20 =	vadd.s32 v21, v20  }
0x140: {  	v18 =	vand.u32 $0xFFFF0000, v18;
	v17 =	vand.u32 $0xFFFF0000, v17;
	v48 =	vadd.s32 $0x7FFF, v20  }
0x141: {  	v18 =	vmul.f32 v18, v5;
	v17 =	vmul.f32 v17, v6;
	v19 =	vand.u32 $0xFFFF0000, v48  }
0x142: {  	v15 =	vmul.f32 v15, v15;
	v19 =	vmul.f32 v19, v7  }
0x143: {  	v18 =	vmul.f32 v18, v18;
	v17 =	vmul.f32 v17, v17  }
0x144: {  	v22 =	vshll.u32 v22, $0x5;
	v14 =	vtrunc.f32 v47;
	v50 =	vcvt.f32.s32 v49  }
0x145: {  	v15 =	vadd.f32 v15, v16;
	v51 =	vmul.f32 v19, v19;
	v17 =	vadd.f32 v17, v18  }
0x146: {  	v13 =	vadd.s32 v13, v22;
	v14 =	vcvt.f32.s32 v14  }
0x147: {  	v16 =	vshll.u32 v50, $0x5;
	v15 =	vmax.f32 v15, $9.999999970e-07;
	v17 =	vadd.f32 v51, v17  }
0x148: {  	v14 =	vadd.s32 v14, v16;
	(erf) = vrcp.f32 v15  }
0x149: {  	v52 =	vmax.f32 v17, $9.999999970e-07  }
0x14a: {  	(erf) = vrcp.f32 v52  }
0x14b: {  	v53 =	vld.idx.msk [tilespmem:v13+s3+$0x0], $0xffff;
	_ =	sdelay $0x1  }
0x14c: {  	v12 =	vmul.f32 v12, v12;
	v55 =	vld.idx.msk [tilespmem:v14+s3+$0x0], $0xffff  }
0x14d: {  	v10 =	vld.idx.msk [tilespmem:v10+s16+$0x0], $0xffff;
	v54 =	vpop (erf)  }
0x14e: {  	v12 =	vmul.f32 v54, v12  }
0x14f: {  	v13 =	vld.idx.msk [tilespmem:v13+s16+$0x0], $0xffff;
	v17 =	vmul.f32 v53, v53  }
0x150: {  	v56 =	vmul.f32 v12, v12;
	v57 =	vpop (erf)  }
0x151: {  	v14 =	vld.idx.msk [tilespmem:v14+s16+$0x0], $0xffff;
	v18 =	vmul.f32 v55, v55;
	v17 =	vmul.f32 v57, v17  }
0x152: {  	v10 =	vmul.f32 $4.000000000e+00, v10;
	v12 =	vmul.f32 v56, v12;
	v59 =	vpop (erf)  }
0x153: {  	v58 =	vmul.f32 v17, v17;
	v18 =	vmul.f32 v59, v18  }
0x154: {  	v10 =	vmul.f32 v12, v10;
	v12 =	vadd.f32 $-1.000000000e+00, v12;
	v13 =	vmul.f32 $4.000000000e+00, v13  }
0x155: {  	v17 =	vmul.f32 v58, v17;
	v60 =	vmul.f32 v18, v18  }
0x156: {  	vm13 =	vlt.f32 v11, v8;
	v10 =	vmul.f32 v12, v10;
	v14 =	vmul.f32 $4.000000000e+00, v14  }
0x157: {  	v11 =	vmul.f32 v17, v13;
	v61 =	vadd.f32 $-1.000000000e+00, v17;
	v62 =	vmul.f32 v60, v18  }
0x158: {  	v10 =	vnsel vm13, $0x0, v10  }
0x159: {  	v11 =	vmul.f32 v61, v11;
	v63 =	vadd.f32 $-1.000000000e+00, v62;
	v13 =	vmul.f32 v62, v14  }
0x15a: {  	v9 =	vadd.f32 v10, v9;
	vm14 =	vlt.f32 v15, v8  }
0x15b: {  	v10 =	vnsel vm14, $0x0, v11;
	v11 =	vmul.f32 v63, v13  }
0x15c: {  	vm15 =	vlt.f32 v52, v8;
	v9 =	vadd.f32 v10, v9  }
0x15d: {  	v10 =	vnsel vm15, $0x0, v11  }
0x15e: {  	v9 =	vadd.f32 v10, v9  }
0x15f: {  	p0 =	seq.s32 s0, $0x19  }
.Ltmp2:
0x160: {  	_ = 	snop;
	(pc) =	sbr.rel @!p0 .LBB2_3-.Ltmp2, $1  }
0x161: {  	_ =	sdelay $0x3  }
0x162: {  	s31 =	sadd.s32 $0x1, s31  }
0x163: {  	p0 =	sne.s32 s31, s14  }
.Ltmp3:
0x164: {  	[tilespmem:$0x121B0] =	vst v9;
	s0 =	simm.s32 $0x121B0;
	(pc) =	sbr.rel @p0 .LBB2_1-.Ltmp3, $4  }
0x165: {  	[hbm4b:s13+s3] =	stream.linear.scatter [tilespmem:s0], [sflag:$0x3], $0x10, $0x38;
	[tilespmem:$0x121C0] =	vst v63  }
0x166: {  	_ =	swait.ge [sflag:s15], $0x10  }
0x167: {  	[sflag:s15] =	ssyncset.done $0x0  }
0x168: {  	[sflag:s15] =	ssyncadd.s32 $0xFFFFFFF0  }
0x169: {  	_ =	sfence.sel $0x180000  }
0x16a: {  	[bflag:$0x0] =	sbarrier.arrive $0xFFFF  }
0x16b: {  	_ =	strace $0x90000047  }
0x16c: {  	s0 =	stileid.u32;
	[bflag:$0x2] =	sbarrier.arrive $0xFFFF  }
0x16d: {  	p0 =	sne.s32 s0, $0x0;
	s0 =	rddreg [dreg:$0x2]  }
0x16e: {  	s0 =	sadd.s32 @!p0 $0x100000, s0  }
0x16f: {  	[sflag:s0] =	ssyncadd.tile.s32 @!p0 $0x1;
	_ =	shalt  }
.Lfunc_end2:
_tile_overlayer_lowered:
.L_overlay_start_2:
0x170: {  	(tag) =	ssettag $0x2  }
0x171: {  	s0 =	rddreg [dreg:$0x0];
	s2 =	stileid.u32  }
0x172: {  	s1 =	rddreg [dreg:$0x1];
	p0 =	sne.s32 s2, $0x0  }
0x173: {  	s3 =	rddreg [dreg:$0x2];
	[bflag:$0x3] =	sbarrier.arrive $0xFFFF;
	s2 =	simm.s32 @!p0 $0x1C03  }
0x174: {  	[timem:s3], [sflag:s2] =	dma.local @!p0 [hbm:s0], s1  }
0x175: {  	s0 =	simm.s32 @!p0 $0x3  }
0x176: {  	_ =	swait.ge @!p0 [sflag:s0], s1  }
0x177: {  	s1 =	ssub.s32 @!p0 $0x0, s1;
	[sflag:s0] =	ssyncset.done @!p0 $0x0  }
0x178: {  	[sflag:s0] =	ssyncadd.s32 @!p0 s1  }
0x179: {  	[bflag:$0x3] =	sbarrier.arrive $0xFFFF  }
0x17a: {  	_ =	shalt  }

</sc_bundles>
